<compile_context>
chip_gen: v7x
topology: tpu7x:2x2x1
jax: 0.10.2.dev20260603
libtpu: 0.0.44.dev20260713+nightly
codegen_flags: <defaults>
</compile_context>

<pallas_src>
import functools

import jax
import jax.numpy as jnp
from jax import lax
from jax.experimental import pallas as pl
from jax.experimental.pallas import tpu as pltpu
from jax.experimental.pallas import tpu_sc as plsc

N = 10000
D = 256
DH = 128
NUM_REL = 4
NUM_BASES = 8
E = 40000
ROW_BLK = 2000

NUM_TILES = 16
CHUNK = 128
E_PER_TILE = 2560
NCHUNK = E_PER_TILE // CHUNK
E_PAD = NUM_TILES * E_PER_TILE
ACC_ROWS = N + 16
NZTILES = 4
ZROWS = ACC_ROWS // NZTILES


def _xt_body(x_ref, bases_ref, combs_ref, xt_ref):
    w = jnp.einsum("b,bio->io", combs_ref[0, 0], bases_ref[...],
                   preferred_element_type=jnp.float32)
    res = jnp.dot(x_ref[...], w, preferred_element_type=jnp.float32)
    xt_ref[0, 0] = res[:, :DH]
    xt_ref[1, 0] = res[:, DH:]


def _xt_pallas(x, bases, combs):
    grid = (NUM_REL, N // ROW_BLK)
    return pl.pallas_call(
        _xt_body,
        grid=grid,
        in_specs=[
            pl.BlockSpec((ROW_BLK, D), lambda r, i: (i, 0)),
            pl.BlockSpec((NUM_BASES, D, D), lambda r, i: (0, 0, 0)),
            pl.BlockSpec((1, 1, NUM_BASES), lambda r, i: (r, 0, 0)),
        ],
        out_specs=pl.BlockSpec((2, 1, ROW_BLK, DH), lambda r, i: (0, r, i, 0)),
        out_shape=jax.ShapeDtypeStruct((2, NUM_REL, N, DH), jnp.float32),
    )(x, bases, combs.reshape(NUM_REL, 1, NUM_BASES))


NBUF = 2
NIB = 8
SLAG = 1
GLOOK = 1
ILOOK = 4
TOT_CHUNKS = NUM_REL * NCHUNK
assert TOT_CHUNKS % NIB == 0


def _sc_agg_body(table, idx_cat, zeros, out, *refs):
    ibufs = refs[0:NIB]
    dbufs = refs[NIB:NIB + NBUF]
    acc = refs[NIB + NBUF]
    isems = refs[NIB + NBUF + 1:NIB + NBUF + 1 + NIB]
    gsems = refs[NIB + NBUF + 1 + NIB:NIB + NBUF + 1 + NIB + NBUF]
    ssems = refs[NIB + NBUF + 1 + NIB + NBUF:]
    c = lax.axis_index("c")
    s = lax.axis_index("s")

    @pl.when(s < NZTILES)
    def _():
        pltpu.sync_copy(zeros, acc.at[pl.ds(s * ZROWS, ZROWS)])
    plsc.subcore_barrier()

    def start_idx(chunk, u):
        pltpu.async_copy(idx_cat.at[c, s, chunk], ibufs[u % NIB],
                         isems[u % NIB])

    def wait_idx(chunk, u):
        pltpu.make_async_copy(idx_cat.at[c, s, chunk], ibufs[u % NIB],
                              isems[u % NIB]).wait()

    def start_gather(u):
        pltpu.async_copy(table.at[ibufs[u % NIB].at[0]], dbufs[u % NBUF],
                         gsems[u % NBUF])

    def wait_gather(u):
        pltpu.make_async_copy(table.at[ibufs[u % NIB].at[0]],
                              dbufs[u % NBUF], gsems[u % NBUF]).wait()

    def start_scatter(u):
        pltpu.async_copy(dbufs[u % NBUF], acc.at[ibufs[u % NIB].at[1]],
                         ssems[u % NBUF], add=True)

    def wait_scatter(u):
        pltpu.make_async_copy(dbufs[u % NBUF], acc.at[ibufs[u % NIB].at[1]],
                              ssems[u % NBUF]).wait()

    for u in range(ILOOK):
        start_idx(u, u)
    for u in range(GLOOK):
        wait_idx(u, u)
        start_gather(u)

    def step(g, carry):
        base = g * NIB
        for u in range(NIB):
            x = base + u

            @pl.when(x >= SLAG)
            def _():
                wait_scatter(u - SLAG)

            @pl.when(x + ILOOK < TOT_CHUNKS)
            def _():
                start_idx(x + ILOOK, u + ILOOK)

            @pl.when(x + GLOOK < TOT_CHUNKS)
            def _():
                wait_idx(x + GLOOK, u + GLOOK)
                start_gather(u + GLOOK)

            wait_gather(u)
            start_scatter(u)
        return carry

    lax.fori_loop(0, TOT_CHUNKS // NIB, step, 0)
    for u in range(TOT_CHUNKS - SLAG, TOT_CHUNKS):
        wait_scatter(u)
    plsc.subcore_barrier()

    @pl.when(s < NZTILES)
    def _():
        pltpu.sync_copy(acc.at[pl.ds(s * ZROWS, ZROWS)],
                        out.at[c, pl.ds(s * ZROWS, ZROWS)])


def _sc_agg(table, idx_cat, zeros):
    mesh = plsc.VectorSubcoreMesh(core_axis_name="c", subcore_axis_name="s")
    f = functools.partial(
        pl.kernel,
        mesh=mesh,
        out_type=jax.ShapeDtypeStruct((2, ACC_ROWS, DH), jnp.float32),
        scratch_types=(
            [pltpu.VMEM((2, CHUNK), jnp.int32)] * NIB
            + [pltpu.VMEM((CHUNK, DH), jnp.float32)] * NBUF
            + [pltpu.VMEM_SHARED((ACC_ROWS, DH), jnp.float32)]
            + [pltpu.SemaphoreType.DMA] * (NIB + 2 * NBUF)
        ),
    )(_sc_agg_body)
    return f(table, idx_cat, zeros)


def _final_body(x_ref, wself_ref, agg_ref, bias_ref, out_ref):
    self_part = jnp.dot(x_ref[...], wself_ref[...],
                        preferred_element_type=jnp.float32)
    agg = jnp.concatenate([agg_ref[0], agg_ref[1]], axis=-1)
    out_ref[...] = jnp.maximum(self_part + agg + bias_ref[...], 0.0)


def _final_pallas(x, wself, agg, bias2d):
    grid = (N // ROW_BLK,)
    return pl.pallas_call(
        _final_body,
        grid=grid,
        in_specs=[
            pl.BlockSpec((ROW_BLK, D), lambda i: (i, 0)),
            pl.BlockSpec((D, D), lambda i: (0, 0)),
            pl.BlockSpec((2, ROW_BLK, DH), lambda i: (0, i, 0)),
            pl.BlockSpec((1, D), lambda i: (0, 0)),
        ],
        out_specs=pl.BlockSpec((ROW_BLK, D), lambda i: (i, 0)),
        out_shape=jax.ShapeDtypeStruct((N, D), jnp.float32),
    )(x, wself, agg, bias2d)


def kernel(x, edge_index_0, edge_index_1, edge_index_2, edge_index_3,
           weight_bases, weight_combs, weight_self, bias):
    xt = _xt_pallas(x, weight_bases, weight_combs)
    table = xt.reshape(2 * NUM_REL * N, DH)

    pad = E_PAD - E
    src_list, dst_list = [], []
    for r, ei in enumerate((edge_index_0, edge_index_1, edge_index_2,
                            edge_index_3)):
        src = ei[0].astype(jnp.int32)
        dst = ei[1].astype(jnp.int32)
        src_flat = r * N + src
        src_flat = jnp.pad(src_flat, (0, pad))
        dst = jnp.pad(dst, (0, pad), constant_values=N)
        src_list.append(src_flat)
        dst_list.append(dst)
    src0 = (jnp.stack(src_list).reshape(NUM_REL, NUM_TILES, NCHUNK, CHUNK)
            .transpose(1, 0, 2, 3).reshape(NUM_TILES, TOT_CHUNKS, CHUNK))
    dst = (jnp.stack(dst_list).reshape(NUM_REL, NUM_TILES, NCHUNK, CHUNK)
           .transpose(1, 0, 2, 3).reshape(NUM_TILES, TOT_CHUNKS, CHUNK))
    idx_cat = jnp.stack([jnp.stack([src0 + c * (NUM_REL * N), dst], axis=2)
                         for c in range(2)])

    zeros = jnp.zeros((ZROWS, DH), jnp.float32)
    agg = _sc_agg(table, idx_cat, zeros)
    return _final_pallas(x, weight_self, agg, bias.reshape(1, D))

# --- scband reference (transcript-rebuilt; emitter-appended) ---
"""Pipeline reference for scband-rgcn-55619826483278 (READ-ONLY COPY).

The authoritative reference and input builder live on the scoring server;
editing this copy changes nothing except your own understanding.
"""

import jax, jax.numpy as jnp
import numpy as np

N = 10000
D_IN = 256
D_OUT = 256
NUM_REL = 4
NUM_BASES = 8
E_PER_REL = 40000


def setup_inputs(seed: int = 0) -> dict:
    key = jax.random.key(seed)
    ks = jax.random.split(key, 9)
    x = jax.random.normal(ks[0], (N, D_IN), dtype=jnp.float32)
    edge_index_0 = jax.random.randint(ks[1], (2, E_PER_REL), 0, N, dtype=jnp.int64)
    edge_index_1 = jax.random.randint(ks[2], (2, E_PER_REL), 0, N, dtype=jnp.int64)
    edge_index_2 = jax.random.randint(ks[3], (2, E_PER_REL), 0, N, dtype=jnp.int64)
    edge_index_3 = jax.random.randint(ks[4], (2, E_PER_REL), 0, N, dtype=jnp.int64)
    # xavier-uniform-style init for learned params
    lim_b = float(np.sqrt(6.0 / (D_IN + D_OUT)))
    weight_bases = jax.random.uniform(ks[5], (NUM_BASES, D_IN, D_OUT), minval=-lim_b, maxval=lim_b, dtype=jnp.float32)
    lim_c = float(np.sqrt(6.0 / (NUM_REL + NUM_BASES)))
    weight_combs = jax.random.uniform(ks[6], (NUM_REL, NUM_BASES), minval=-lim_c, maxval=lim_c, dtype=jnp.float32)
    weight_self = jax.random.uniform(ks[7], (D_IN, D_OUT), minval=-lim_b, maxval=lim_b, dtype=jnp.float32)
    bias = jnp.zeros((D_OUT,), dtype=jnp.float32)
    return {
        "x": x,
        "edge_index_0": edge_index_0,
        "edge_index_1": edge_index_1,
        "edge_index_2": edge_index_2,
        "edge_index_3": edge_index_3,
        "weight_bases": weight_bases,
        "weight_combs": weight_combs,
        "weight_self": weight_self,
        "bias": bias,
    }


def reference(x, edge_index_0, edge_index_1, edge_index_2, edge_index_3,
              weight_bases, weight_combs, weight_self, bias):
    num_nodes = x.shape[0]
    edge_indices = [edge_index_0, edge_index_1, edge_index_2, edge_index_3]
    # self-loop transform
    out = jnp.matmul(x, weight_self)
    for rel_idx in range(NUM_REL):
        ei = edge_indices[rel_idx]
        # basis decomposition: weight = sum_b combs[rel, b] * bases[b]
        weight = jnp.sum(weight_combs[rel_idx][:, None, None] * weight_bases, axis=0)
        x_transformed = jnp.matmul(x, weight)
        # message: x_j = x_transformed[src]; aggregate 'add' at dst
        msgs = jnp.take(x_transformed, ei[0], axis=0)
        agg = jnp.zeros((num_nodes, D_OUT), dtype=x.dtype).at[ei[1]].add(msgs)
        out = out + agg
    out = out + bias
    out = jax.nn.relu(out)  # activation=True
    return out

if __name__ == "__main__":
    import jax
    _d = setup_inputs()
    print(jax.jit(kernel)(*tuple(_d.values())))

</pallas_src>

<mosaic_0001>
#map = affine_map<(d0, d1) -> (0, 0)>
#map1 = affine_map<(d0, d1) -> (0, 0, 0, 0, 0)>
#map2 = affine_map<(d0, d1) -> (0, 0, 0)>
module attributes {stable_mosaic.version = 14 : i64} {
  func.func @_sc_agg_body(%arg0: i32, %arg1: i32, %arg2: memref<80000x128xf32, #tpu.memory_space<hbm>>, %arg3: memref<2x16x80x2x128xi32, #tpu.memory_space<hbm>>, %arg4: memref<2504x128xf32, #tpu.memory_space<hbm>>, %arg5: memref<2x10016x128xf32, #tpu.memory_space<hbm>>, %arg6: memref<2x128xi32, #tpu.memory_space<vmem>>, %arg7: memref<2x128xi32, #tpu.memory_space<vmem>>, %arg8: memref<2x128xi32, #tpu.memory_space<vmem>>, %arg9: memref<2x128xi32, #tpu.memory_space<vmem>>, %arg10: memref<2x128xi32, #tpu.memory_space<vmem>>, %arg11: memref<2x128xi32, #tpu.memory_space<vmem>>, %arg12: memref<2x128xi32, #tpu.memory_space<vmem>>, %arg13: memref<2x128xi32, #tpu.memory_space<vmem>>, %arg14: memref<128x128xf32, #tpu.memory_space<vmem>>, %arg15: memref<128x128xf32, #tpu.memory_space<vmem>>, %arg16: memref<10016x128xf32, #tpu.memory_space<vmem_shared>>, %arg17: memref<!tpu.dma_semaphore, #tpu.memory_space<semaphore_mem>>, %arg18: memref<!tpu.dma_semaphore, #tpu.memory_space<semaphore_mem>>, %arg19: memref<!tpu.dma_semaphore, #tpu.memory_space<semaphore_mem>>, %arg20: memref<!tpu.dma_semaphore, #tpu.memory_space<semaphore_mem>>, %arg21: memref<!tpu.dma_semaphore, #tpu.memory_space<semaphore_mem>>, %arg22: memref<!tpu.dma_semaphore, #tpu.memory_space<semaphore_mem>>, %arg23: memref<!tpu.dma_semaphore, #tpu.memory_space<semaphore_mem>>, %arg24: memref<!tpu.dma_semaphore, #tpu.memory_space<semaphore_mem>>, %arg25: memref<!tpu.dma_semaphore, #tpu.memory_space<semaphore_mem>>, %arg26: memref<!tpu.dma_semaphore, #tpu.memory_space<semaphore_mem>>, %arg27: memref<!tpu.dma_semaphore, #tpu.memory_space<semaphore_mem>>, %arg28: memref<!tpu.dma_semaphore, #tpu.memory_space<semaphore_mem>>) attributes {dimension_semantics = [#tpu.dimension_semantics<core_parallel>, #tpu.dimension_semantics<subcore_parallel>], iteration_bounds = array<i64: 2, 16>, scalar_prefetch = 0 : i64, scratch_operands = 23 : i64, tpu.core_type = #tpu.core_type<sc_vector_subcore>, window_params = [{transform_indices = #map}, {transform_indices = #map1}, {transform_indices = #map}, {transform_indices = #map2}]} {
    %lt3A = arith.constant 4 : i32
    %lt3A_0 = arith.cmpi slt, %arg1, %lt3A : i32
    %convert_element_type3A = arith.extui %lt3A_0 : i1 to i32
    %cond3A = arith.constant 0 : i32
    %cond3A_1 = arith.cmpi ne, %convert_element_type3A, %cond3A : i32
    scf.if %cond3A_1 {
      %mul3A = arith.constant 2504 : i32
      %mul3A_70 = arith.muli %arg1, %mul3A : i32
      "tpu.region"() ({
        %run_scoped3A = tpu.sem_alloc : memref<!tpu.dma_semaphore, #tpu.memory_space<semaphore_mem>>
        %dma_start3A_71 = arith.constant 0 : i32
        %dma_start3A_72 = tpu.memref_slice %arg16[%mul3A_70, %dma_start3A_71] : memref<10016x128xf32, #tpu.memory_space<vmem_shared>> -> memref<2504x128xf32, #tpu.memory_space<vmem_shared>>
        tpu.enqueue_dma source(%arg4 : memref<2504x128xf32, #tpu.memory_space<hbm>>) target(%dma_start3A_72 : memref<2504x128xf32, #tpu.memory_space<vmem_shared>>) target_semaphore(%run_scoped3A : memref<!tpu.dma_semaphore, #tpu.memory_space<semaphore_mem>>)
        %dma_wait3A_73 = arith.constant 0 : i32
        %dma_wait3A_74 = tpu.memref_slice %arg16[%mul3A_70, %dma_wait3A_73] : memref<10016x128xf32, #tpu.memory_space<vmem_shared>> -> memref<2504x128xf32, #tpu.memory_space<vmem_shared>>
        tpu.wait_dma2 semaphore(%run_scoped3A : memref<!tpu.dma_semaphore, #tpu.memory_space<semaphore_mem>>) src(%arg4 : memref<2504x128xf32, #tpu.memory_space<hbm>>) dst(%dma_wait3A_74 : memref<2504x128xf32, #tpu.memory_space<vmem_shared>>)
        tpu.yield
      }) : () -> ()
    } else {
    }
    %barrier3A = arith.constant 0 : index
    tpu.barrier barrier_id(%barrier3A)
    %dma_start3A = arith.constant 0 : i32
    %dma_start3A_2 = arith.constant 0 : i32
    %dma_start3A_3 = arith.constant 0 : i32
    %dma_start3A_4 = tpu.memref_slice %arg3[%arg0, %arg1, %dma_start3A, %dma_start3A_2, %dma_start3A_3] : memref<2x16x80x2x128xi32, #tpu.memory_space<hbm>> -> memref<1x1x1x2x128xi32, #tpu.memory_space<hbm>>
    %dma_start3A_5 = tpu.memref_squeeze %dma_start3A_4 : memref<1x1x1x2x128xi32, #tpu.memory_space<hbm>> -> memref<2x128xi32, #tpu.memory_space<hbm>>
    %dma_start3A_6 = arith.constant 0 : i32
    %dma_start3A_7 = arith.constant 0 : i32
    %dma_start3A_8 = tpu.memref_slice %arg3[%arg0, %arg1, %dma_start3A, %dma_start3A_6, %dma_start3A_7] : memref<2x16x80x2x128xi32, #tpu.memory_space<hbm>> -> memref<1x1x1x2x128xi32, #tpu.memory_space<hbm>>
    %dma_start3A_9 = tpu.memref_squeeze %dma_start3A_8 : memref<1x1x1x2x128xi32, #tpu.memory_space<hbm>> -> memref<2x128xi32, #tpu.memory_space<hbm>>
    tpu.enqueue_dma source(%dma_start3A_9 : memref<2x128xi32, #tpu.memory_space<hbm>>) target(%arg6 : memref<2x128xi32, #tpu.memory_space<vmem>>) target_semaphore(%arg17 : memref<!tpu.dma_semaphore, #tpu.memory_space<semaphore_mem>>)
    %dma_start3A_10 = arith.constant 1 : i32
    %dma_start3A_11 = arith.constant 0 : i32
    %dma_start3A_12 = arith.constant 0 : i32
    %dma_start3A_13 = tpu.memref_slice %arg3[%arg0, %arg1, %dma_start3A_10, %dma_start3A_11, %dma_start3A_12] : memref<2x16x80x2x128xi32, #tpu.memory_space<hbm>> -> memref<1x1x1x2x128xi32, #tpu.memory_space<hbm>>
    %dma_start3A_14 = tpu.memref_squeeze %dma_start3A_13 : memref<1x1x1x2x128xi32, #tpu.memory_space<hbm>> -> memref<2x128xi32, #tpu.memory_space<hbm>>
    %dma_start3A_15 = arith.constant 0 : i32
    %dma_start3A_16 = arith.constant 0 : i32
    %dma_start3A_17 = tpu.memref_slice %arg3[%arg0, %arg1, %dma_start3A_10, %dma_start3A_15, %dma_start3A_16] : memref<2x16x80x2x128xi32, #tpu.memory_space<hbm>> -> memref<1x1x1x2x128xi32, #tpu.memory_space<hbm>>
    %dma_start3A_18 = tpu.memref_squeeze %dma_start3A_17 : memref<1x1x1x2x128xi32, #tpu.memory_space<hbm>> -> memref<2x128xi32, #tpu.memory_space<hbm>>
    tpu.enqueue_dma source(%dma_start3A_18 : memref<2x128xi32, #tpu.memory_space<hbm>>) target(%arg7 : memref<2x128xi32, #tpu.memory_space<vmem>>) target_semaphore(%arg18 : memref<!tpu.dma_semaphore, #tpu.memory_space<semaphore_mem>>)
    %dma_start3A_19 = arith.constant 2 : i32
    %dma_start3A_20 = arith.constant 0 : i32
    %dma_start3A_21 = arith.constant 0 : i32
    %dma_start3A_22 = tpu.memref_slice %arg3[%arg0, %arg1, %dma_start3A_19, %dma_start3A_20, %dma_start3A_21] : memref<2x16x80x2x128xi32, #tpu.memory_space<hbm>> -> memref<1x1x1x2x128xi32, #tpu.memory_space<hbm>>
    %dma_start3A_23 = tpu.memref_squeeze %dma_start3A_22 : memref<1x1x1x2x128xi32, #tpu.memory_space<hbm>> -> memref<2x128xi32, #tpu.memory_space<hbm>>
    %dma_start3A_24 = arith.constant 0 : i32
    %dma_start3A_25 = arith.constant 0 : i32
    %dma_start3A_26 = tpu.memref_slice %arg3[%arg0, %arg1, %dma_start3A_19, %dma_start3A_24, %dma_start3A_25] : memref<2x16x80x2x128xi32, #tpu.memory_space<hbm>> -> memref<1x1x1x2x128xi32, #tpu.memory_space<hbm>>
    %dma_start3A_27 = tpu.memref_squeeze %dma_start3A_26 : memref<1x1x1x2x128xi32, #tpu.memory_space<hbm>> -> memref<2x128xi32, #tpu.memory_space<hbm>>
    tpu.enqueue_dma source(%dma_start3A_27 : memref<2x128xi32, #tpu.memory_space<hbm>>) target(%arg8 : memref<2x128xi32, #tpu.memory_space<vmem>>) target_semaphore(%arg19 : memref<!tpu.dma_semaphore, #tpu.memory_space<semaphore_mem>>)
    %dma_start3A_28 = arith.constant 3 : i32
    %dma_start3A_29 = arith.constant 0 : i32
    %dma_start3A_30 = arith.constant 0 : i32
    %dma_start3A_31 = tpu.memref_slice %arg3[%arg0, %arg1, %dma_start3A_28, %dma_start3A_29, %dma_start3A_30] : memref<2x16x80x2x128xi32, #tpu.memory_space<hbm>> -> memref<1x1x1x2x128xi32, #tpu.memory_space<hbm>>
    %dma_start3A_32 = tpu.memref_squeeze %dma_start3A_31 : memref<1x1x1x2x128xi32, #tpu.memory_space<hbm>> -> memref<2x128xi32, #tpu.memory_space<hbm>>
    %dma_start3A_33 = arith.constant 0 : i32
    %dma_start3A_34 = arith.constant 0 : i32
    %dma_start3A_35 = tpu.memref_slice %arg3[%arg0, %arg1, %dma_start3A_28, %dma_start3A_33, %dma_start3A_34] : memref<2x16x80x2x128xi32, #tpu.memory_space<hbm>> -> memref<1x1x1x2x128xi32, #tpu.memory_space<hbm>>
    %dma_start3A_36 = tpu.memref_squeeze %dma_start3A_35 : memref<1x1x1x2x128xi32, #tpu.memory_space<hbm>> -> memref<2x128xi32, #tpu.memory_space<hbm>>
    tpu.enqueue_dma source(%dma_start3A_36 : memref<2x128xi32, #tpu.memory_space<hbm>>) target(%arg9 : memref<2x128xi32, #tpu.memory_space<vmem>>) target_semaphore(%arg20 : memref<!tpu.dma_semaphore, #tpu.memory_space<semaphore_mem>>)
    %dma_wait3A = arith.constant 0 : i32
    %dma_wait3A_37 = arith.constant 0 : i32
    %dma_wait3A_38 = arith.constant 0 : i32
    %dma_wait3A_39 = tpu.memref_slice %arg3[%arg0, %arg1, %dma_wait3A, %dma_wait3A_37, %dma_wait3A_38] : memref<2x16x80x2x128xi32, #tpu.memory_space<hbm>> -> memref<1x1x1x2x128xi32, #tpu.memory_space<hbm>>
    %dma_wait3A_40 = tpu.memref_squeeze %dma_wait3A_39 : memref<1x1x1x2x128xi32, #tpu.memory_space<hbm>> -> memref<2x128xi32, #tpu.memory_space<hbm>>
    %dma_wait3A_41 = arith.constant 0 : i32
    %dma_wait3A_42 = arith.constant 0 : i32
    %dma_wait3A_43 = tpu.memref_slice %arg3[%arg0, %arg1, %dma_wait3A, %dma_wait3A_41, %dma_wait3A_42] : memref<2x16x80x2x128xi32, #tpu.memory_space<hbm>> -> memref<1x1x1x2x128xi32, #tpu.memory_space<hbm>>
    %dma_wait3A_44 = tpu.memref_squeeze %dma_wait3A_43 : memref<1x1x1x2x128xi32, #tpu.memory_space<hbm>> -> memref<2x128xi32, #tpu.memory_space<hbm>>
    tpu.wait_dma2 semaphore(%arg17 : memref<!tpu.dma_semaphore, #tpu.memory_space<semaphore_mem>>) src(%dma_wait3A_44 : memref<2x128xi32, #tpu.memory_space<hbm>>) dst(%arg6 : memref<2x128xi32, #tpu.memory_space<vmem>>)
    %dma_start3A_45 = arith.constant 0 : i32
    %dma_start3A_46 = arith.constant 0 : i32
    %dma_start3A_47 = tpu.memref_slice %arg6[%dma_start3A_45, %dma_start3A_46] : memref<2x128xi32, #tpu.memory_space<vmem>> -> memref<1x128xi32, #tpu.memory_space<vmem>>
    %dma_start3A_48 = tpu.memref_squeeze %dma_start3A_47 : memref<1x128xi32, #tpu.memory_space<vmem>> -> memref<128xi32, #tpu.memory_space<vmem>>
    %dma_start3A_49 = arith.constant 0 : i32
    %dma_start3A_50 = arith.constant 0 : i32
    %dma_start3A_51 = tpu.memref_slice %arg2[%dma_start3A_49, %dma_start3A_50] : memref<80000x128xf32, #tpu.memory_space<hbm>> -> memref<80000x128xf32, #tpu.memory_space<hbm>>
    tpu.enqueue_indirect_dma source(%dma_start3A_51 : memref<80000x128xf32, #tpu.memory_space<hbm>>) target(%arg14 : memref<128x128xf32, #tpu.memory_space<vmem>>) offsets(%dma_start3A_48 : memref<128xi32, #tpu.memory_space<vmem>>) semaphore(%arg25 : memref<!tpu.dma_semaphore, #tpu.memory_space<semaphore_mem>>)
    %scan3A = arith.constant 0 : i32
    %scan3A_52 = arith.constant 0 : i32
    %scan3A_53 = arith.constant 10 : i32
    %scan3A_54 = arith.addi %scan3A_52, %scan3A_53 : i32
    %scan3A_55 = arith.constant 1 : i32
    scf.for %scan3A_70 = %scan3A_52 to %scan3A_54 step %scan3A_55  : i32 {
      %mul3A = arith.constant 8 : i32
      %mul3A_71 = arith.muli %scan3A_70, %mul3A : i32
      %add3A = arith.constant 0 : i32
      %add3A_72 = arith.addi %mul3A_71, %add3A : i32
      %ge3A = arith.constant 1 : i32
      %ge3A_73 = arith.cmpi sge, %add3A_72, %ge3A : i32
      %convert_element_type3A_74 = arith.extui %ge3A_73 : i1 to i32
      %cond3A_75 = arith.constant 0 : i32
      %cond3A_76 = arith.cmpi ne, %convert_element_type3A_74, %cond3A_75 : i32
      scf.if %cond3A_76 {
        %dma_wait3A_350 = arith.constant 1 : i32
        %dma_wait3A_351 = arith.constant 0 : i32
        %dma_wait3A_352 = tpu.memref_slice %arg13[%dma_wait3A_350, %dma_wait3A_351] : memref<2x128xi32, #tpu.memory_space<vmem>> -> memref<1x128xi32, #tpu.memory_space<vmem>>
        %dma_wait3A_353 = tpu.memref_squeeze %dma_wait3A_352 : memref<1x128xi32, #tpu.memory_space<vmem>> -> memref<128xi32, #tpu.memory_space<vmem>>
        %dma_wait3A_354 = arith.constant 0 : i32
        %dma_wait3A_355 = arith.constant 0 : i32
        %dma_wait3A_356 = tpu.memref_slice %arg16[%dma_wait3A_354, %dma_wait3A_355] : memref<10016x128xf32, #tpu.memory_space<vmem_shared>> -> memref<10016x128xf32, #tpu.memory_space<vmem_shared>>
        tpu.wait_indirect_dma semaphore(%arg28 : memref<!tpu.dma_semaphore, #tpu.memory_space<semaphore_mem>>) src(%arg15 : memref<128x128xf32, #tpu.memory_space<vmem>>) dst(%dma_wait3A_356 : memref<10016x128xf32, #tpu.memory_space<vmem_shared>>)
      } else {
      }
      %add3A_77 = arith.constant 4 : i32
      %add3A_78 = arith.addi %add3A_72, %add3A_77 : i32
      %lt3A_79 = arith.constant 80 : i32
      %lt3A_80 = arith.cmpi slt, %add3A_78, %lt3A_79 : i32
      %convert_element_type3A_81 = arith.extui %lt3A_80 : i1 to i32
      %cond3A_82 = arith.constant 0 : i32
      %cond3A_83 = arith.cmpi ne, %convert_element_type3A_81, %cond3A_82 : i32
      scf.if %cond3A_83 {
        %add3A_350 = arith.constant 4 : i32
        %add3A_351 = arith.addi %add3A_72, %add3A_350 : i32
        %dma_start3A_352 = arith.constant 0 : i32
        %dma_start3A_353 = arith.constant 0 : i32
        %dma_start3A_354 = tpu.memref_slice %arg3[%arg0, %arg1, %add3A_351, %dma_start3A_352, %dma_start3A_353] : memref<2x16x80x2x128xi32, #tpu.memory_space<hbm>> -> memref<1x1x1x2x128xi32, #tpu.memory_space<hbm>>
        %dma_start3A_355 = tpu.memref_squeeze %dma_start3A_354 : memref<1x1x1x2x128xi32, #tpu.memory_space<hbm>> -> memref<2x128xi32, #tpu.memory_space<hbm>>
        %dma_start3A_356 = arith.constant 0 : i32
        %dma_start3A_357 = arith.constant 0 : i32
        %dma_start3A_358 = tpu.memref_slice %arg3[%arg0, %arg1, %add3A_351, %dma_start3A_356, %dma_start3A_357] : memref<2x16x80x2x128xi32, #tpu.memory_space<hbm>> -> memref<1x1x1x2x128xi32, #tpu.memory_space<hbm>>
        %dma_start3A_359 = tpu.memref_squeeze %dma_start3A_358 : memref<1x1x1x2x128xi32, #tpu.memory_space<hbm>> -> memref<2x128xi32, #tpu.memory_space<hbm>>
        tpu.enqueue_dma source(%dma_start3A_359 : memref<2x128xi32, #tpu.memory_space<hbm>>) target(%arg10 : memref<2x128xi32, #tpu.memory_space<vmem>>) target_semaphore(%arg21 : memref<!tpu.dma_semaphore, #tpu.memory_space<semaphore_mem>>)
      } else {
      }
      %add3A_84 = arith.constant 1 : i32
      %add3A_85 = arith.addi %add3A_72, %add3A_84 : i32
      %lt3A_86 = arith.constant 80 : i32
      %lt3A_87 = arith.cmpi slt, %add3A_85, %lt3A_86 : i32
      %convert_element_type3A_88 = arith.extui %lt3A_87 : i1 to i32
      %cond3A_89 = arith.constant 0 : i32
      %cond3A_90 = arith.cmpi ne, %convert_element_type3A_88, %cond3A_89 : i32
      scf.if %cond3A_90 {
        %add3A_350 = arith.constant 1 : i32
        %add3A_351 = arith.addi %add3A_72, %add3A_350 : i32
        %dma_wait3A_352 = arith.constant 0 : i32
        %dma_wait3A_353 = arith.constant 0 : i32
        %dma_wait3A_354 = tpu.memref_slice %arg3[%arg0, %arg1, %add3A_351, %dma_wait3A_352, %dma_wait3A_353] : memref<2x16x80x2x128xi32, #tpu.memory_space<hbm>> -> memref<1x1x1x2x128xi32, #tpu.memory_space<hbm>>
        %dma_wait3A_355 = tpu.memref_squeeze %dma_wait3A_354 : memref<1x1x1x2x128xi32, #tpu.memory_space<hbm>> -> memref<2x128xi32, #tpu.memory_space<hbm>>
        %dma_wait3A_356 = arith.constant 0 : i32
        %dma_wait3A_357 = arith.constant 0 : i32
        %dma_wait3A_358 = tpu.memref_slice %arg3[%arg0, %arg1, %add3A_351, %dma_wait3A_356, %dma_wait3A_357] : memref<2x16x80x2x128xi32, #tpu.memory_space<hbm>> -> memref<1x1x1x2x128xi32, #tpu.memory_space<hbm>>
        %dma_wait3A_359 = tpu.memref_squeeze %dma_wait3A_358 : memref<1x1x1x2x128xi32, #tpu.memory_space<hbm>> -> memref<2x128xi32, #tpu.memory_space<hbm>>
        tpu.wait_dma2 semaphore(%arg18 : memref<!tpu.dma_semaphore, #tpu.memory_space<semaphore_mem>>) src(%dma_wait3A_359 : memref<2x128xi32, #tpu.memory_space<hbm>>) dst(%arg7 : memref<2x128xi32, #tpu.memory_space<vmem>>)
        %dma_start3A_360 = arith.constant 0 : i32
        %dma_start3A_361 = arith.constant 0 : i32
        %dma_start3A_362 = tpu.memref_slice %arg7[%dma_start3A_360, %dma_start3A_361] : memref<2x128xi32, #tpu.memory_space<vmem>> -> memref<1x128xi32, #tpu.memory_space<vmem>>
        %dma_start3A_363 = tpu.memref_squeeze %dma_start3A_362 : memref<1x128xi32, #tpu.memory_space<vmem>> -> memref<128xi32, #tpu.memory_space<vmem>>
        %dma_start3A_364 = arith.constant 0 : i32
        %dma_start3A_365 = arith.constant 0 : i32
        %dma_start3A_366 = tpu.memref_slice %arg2[%dma_start3A_364, %dma_start3A_365] : memref<80000x128xf32, #tpu.memory_space<hbm>> -> memref<80000x128xf32, #tpu.memory_space<hbm>>
        tpu.enqueue_indirect_dma source(%dma_start3A_366 : memref<80000x128xf32, #tpu.memory_space<hbm>>) target(%arg15 : memref<128x128xf32, #tpu.memory_space<vmem>>) offsets(%dma_start3A_363 : memref<128xi32, #tpu.memory_space<vmem>>) semaphore(%arg26 : memref<!tpu.dma_semaphore, #tpu.memory_space<semaphore_mem>>)
      } else {
      }
      %dma_wait3A_91 = arith.constant 0 : i32
      %dma_wait3A_92 = arith.constant 0 : i32
      %dma_wait3A_93 = tpu.memref_slice %arg6[%dma_wait3A_91, %dma_wait3A_92] : memref<2x128xi32, #tpu.memory_space<vmem>> -> memref<1x128xi32, #tpu.memory_space<vmem>>
      %dma_wait3A_94 = tpu.memref_squeeze %dma_wait3A_93 : memref<1x128xi32, #tpu.memory_space<vmem>> -> memref<128xi32, #tpu.memory_space<vmem>>
      %dma_wait3A_95 = arith.constant 0 : i32
      %dma_wait3A_96 = arith.constant 0 : i32
      %dma_wait3A_97 = tpu.memref_slice %arg2[%dma_wait3A_95, %dma_wait3A_96] : memref<80000x128xf32, #tpu.memory_space<hbm>> -> memref<80000x128xf32, #tpu.memory_space<hbm>>
      tpu.wait_indirect_dma semaphore(%arg25 : memref<!tpu.dma_semaphore, #tpu.memory_space<semaphore_mem>>) src(%dma_wait3A_97 : memref<80000x128xf32, #tpu.memory_space<hbm>>) dst(%arg14 : memref<128x128xf32, #tpu.memory_space<vmem>>)
      %dma_start3A_98 = arith.constant 1 : i32
      %dma_start3A_99 = arith.constant 0 : i32
      %dma_start3A_100 = tpu.memref_slice %arg6[%dma_start3A_98, %dma_start3A_99] : memref<2x128xi32, #tpu.memory_space<vmem>> -> memref<1x128xi32, #tpu.memory_space<vmem>>
      %dma_start3A_101 = tpu.memref_squeeze %dma_start3A_100 : memref<1x128xi32, #tpu.memory_space<vmem>> -> memref<128xi32, #tpu.memory_space<vmem>>
      %dma_start3A_102 = arith.constant 0 : i32
      %dma_start3A_103 = arith.constant 0 : i32
      %dma_start3A_104 = tpu.memref_slice %arg16[%dma_start3A_102, %dma_start3A_103] : memref<10016x128xf32, #tpu.memory_space<vmem_shared>> -> memref<10016x128xf32, #tpu.memory_space<vmem_shared>>
      tpu.enqueue_indirect_dma source(%arg14 : memref<128x128xf32, #tpu.memory_space<vmem>>) target(%dma_start3A_104 : memref<10016x128xf32, #tpu.memory_space<vmem_shared>>) offsets(%dma_start3A_101 : memref<128xi32, #tpu.memory_space<vmem>>) semaphore(%arg27 : memref<!tpu.dma_semaphore, #tpu.memory_space<semaphore_mem>>) {add = true}
      %add3A_105 = arith.constant 1 : i32
      %add3A_106 = arith.addi %mul3A_71, %add3A_105 : i32
      %ge3A_107 = arith.constant 1 : i32
      %ge3A_108 = arith.cmpi sge, %add3A_106, %ge3A_107 : i32
      %convert_element_type3A_109 = arith.extui %ge3A_108 : i1 to i32
      %cond3A_110 = arith.constant 0 : i32
      %cond3A_111 = arith.cmpi ne, %convert_element_type3A_109, %cond3A_110 : i32
      scf.if %cond3A_111 {
        %dma_wait3A_350 = arith.constant 1 : i32
        %dma_wait3A_351 = arith.constant 0 : i32
        %dma_wait3A_352 = tpu.memref_slice %arg6[%dma_wait3A_350, %dma_wait3A_351] : memref<2x128xi32, #tpu.memory_space<vmem>> -> memref<1x128xi32, #tpu.memory_space<vmem>>
        %dma_wait3A_353 = tpu.memref_squeeze %dma_wait3A_352 : memref<1x128xi32, #tpu.memory_space<vmem>> -> memref<128xi32, #tpu.memory_space<vmem>>
        %dma_wait3A_354 = arith.constant 0 : i32
        %dma_wait3A_355 = arith.constant 0 : i32
        %dma_wait3A_356 = tpu.memref_slice %arg16[%dma_wait3A_354, %dma_wait3A_355] : memref<10016x128xf32, #tpu.memory_space<vmem_shared>> -> memref<10016x128xf32, #tpu.memory_space<vmem_shared>>
        tpu.wait_indirect_dma semaphore(%arg27 : memref<!tpu.dma_semaphore, #tpu.memory_space<semaphore_mem>>) src(%arg14 : memref<128x128xf32, #tpu.memory_space<vmem>>) dst(%dma_wait3A_356 : memref<10016x128xf32, #tpu.memory_space<vmem_shared>>)
      } else {
      }
      %add3A_112 = arith.constant 4 : i32
      %add3A_113 = arith.addi %add3A_106, %add3A_112 : i32
      %lt3A_114 = arith.constant 80 : i32
      %lt3A_115 = arith.cmpi slt, %add3A_113, %lt3A_114 : i32
      %convert_element_type3A_116 = arith.extui %lt3A_115 : i1 to i32
      %cond3A_117 = arith.constant 0 : i32
      %cond3A_118 = arith.cmpi ne, %convert_element_type3A_116, %cond3A_117 : i32
      scf.if %cond3A_118 {
        %add3A_350 = arith.constant 4 : i32
        %add3A_351 = arith.addi %add3A_106, %add3A_350 : i32
        %dma_start3A_352 = arith.constant 0 : i32
        %dma_start3A_353 = arith.constant 0 : i32
        %dma_start3A_354 = tpu.memref_slice %arg3[%arg0, %arg1, %add3A_351, %dma_start3A_352, %dma_start3A_353] : memref<2x16x80x2x128xi32, #tpu.memory_space<hbm>> -> memref<1x1x1x2x128xi32, #tpu.memory_space<hbm>>
        %dma_start3A_355 = tpu.memref_squeeze %dma_start3A_354 : memref<1x1x1x2x128xi32, #tpu.memory_space<hbm>> -> memref<2x128xi32, #tpu.memory_space<hbm>>
        %dma_start3A_356 = arith.constant 0 : i32
        %dma_start3A_357 = arith.constant 0 : i32
        %dma_start3A_358 = tpu.memref_slice %arg3[%arg0, %arg1, %add3A_351, %dma_start3A_356, %dma_start3A_357] : memref<2x16x80x2x128xi32, #tpu.memory_space<hbm>> -> memref<1x1x1x2x128xi32, #tpu.memory_space<hbm>>
        %dma_start3A_359 = tpu.memref_squeeze %dma_start3A_358 : memref<1x1x1x2x128xi32, #tpu.memory_space<hbm>> -> memref<2x128xi32, #tpu.memory_space<hbm>>
        tpu.enqueue_dma source(%dma_start3A_359 : memref<2x128xi32, #tpu.memory_space<hbm>>) target(%arg11 : memref<2x128xi32, #tpu.memory_space<vmem>>) target_semaphore(%arg22 : memref<!tpu.dma_semaphore, #tpu.memory_space<semaphore_mem>>)
      } else {
      }
      %add3A_119 = arith.constant 1 : i32
      %add3A_120 = arith.addi %add3A_106, %add3A_119 : i32
      %lt3A_121 = arith.constant 80 : i32
      %lt3A_122 = arith.cmpi slt, %add3A_120, %lt3A_121 : i32
      %convert_element_type3A_123 = arith.extui %lt3A_122 : i1 to i32
      %cond3A_124 = arith.constant 0 : i32
      %cond3A_125 = arith.cmpi ne, %convert_element_type3A_123, %cond3A_124 : i32
      scf.if %cond3A_125 {
        %add3A_350 = arith.constant 1 : i32
        %add3A_351 = arith.addi %add3A_106, %add3A_350 : i32
        %dma_wait3A_352 = arith.constant 0 : i32
        %dma_wait3A_353 = arith.constant 0 : i32
        %dma_wait3A_354 = tpu.memref_slice %arg3[%arg0, %arg1, %add3A_351, %dma_wait3A_352, %dma_wait3A_353] : memref<2x16x80x2x128xi32, #tpu.memory_space<hbm>> -> memref<1x1x1x2x128xi32, #tpu.memory_space<hbm>>
        %dma_wait3A_355 = tpu.memref_squeeze %dma_wait3A_354 : memref<1x1x1x2x128xi32, #tpu.memory_space<hbm>> -> memref<2x128xi32, #tpu.memory_space<hbm>>
        %dma_wait3A_356 = arith.constant 0 : i32
        %dma_wait3A_357 = arith.constant 0 : i32
        %dma_wait3A_358 = tpu.memref_slice %arg3[%arg0, %arg1, %add3A_351, %dma_wait3A_356, %dma_wait3A_357] : memref<2x16x80x2x128xi32, #tpu.memory_space<hbm>> -> memref<1x1x1x2x128xi32, #tpu.memory_space<hbm>>
        %dma_wait3A_359 = tpu.memref_squeeze %dma_wait3A_358 : memref<1x1x1x2x128xi32, #tpu.memory_space<hbm>> -> memref<2x128xi32, #tpu.memory_space<hbm>>
        tpu.wait_dma2 semaphore(%arg19 : memref<!tpu.dma_semaphore, #tpu.memory_space<semaphore_mem>>) src(%dma_wait3A_359 : memref<2x128xi32, #tpu.memory_space<hbm>>) dst(%arg8 : memref<2x128xi32, #tpu.memory_space<vmem>>)
        %dma_start3A_360 = arith.constant 0 : i32
        %dma_start3A_361 = arith.constant 0 : i32
        %dma_start3A_362 = tpu.memref_slice %arg8[%dma_start3A_360, %dma_start3A_361] : memref<2x128xi32, #tpu.memory_space<vmem>> -> memref<1x128xi32, #tpu.memory_space<vmem>>
        %dma_start3A_363 = tpu.memref_squeeze %dma_start3A_362 : memref<1x128xi32, #tpu.memory_space<vmem>> -> memref<128xi32, #tpu.memory_space<vmem>>
        %dma_start3A_364 = arith.constant 0 : i32
        %dma_start3A_365 = arith.constant 0 : i32
        %dma_start3A_366 = tpu.memref_slice %arg2[%dma_start3A_364, %dma_start3A_365] : memref<80000x128xf32, #tpu.memory_space<hbm>> -> memref<80000x128xf32, #tpu.memory_space<hbm>>
        tpu.enqueue_indirect_dma source(%dma_start3A_366 : memref<80000x128xf32, #tpu.memory_space<hbm>>) target(%arg14 : memref<128x128xf32, #tpu.memory_space<vmem>>) offsets(%dma_start3A_363 : memref<128xi32, #tpu.memory_space<vmem>>) semaphore(%arg25 : memref<!tpu.dma_semaphore, #tpu.memory_space<semaphore_mem>>)
      } else {
      }
      %dma_wait3A_126 = arith.constant 0 : i32
      %dma_wait3A_127 = arith.constant 0 : i32
      %dma_wait3A_128 = tpu.memref_slice %arg7[%dma_wait3A_126, %dma_wait3A_127] : memref<2x128xi32, #tpu.memory_space<vmem>> -> memref<1x128xi32, #tpu.memory_space<vmem>>
      %dma_wait3A_129 = tpu.memref_squeeze %dma_wait3A_128 : memref<1x128xi32, #tpu.memory_space<vmem>> -> memref<128xi32, #tpu.memory_space<vmem>>
      %dma_wait3A_130 = arith.constant 0 : i32
      %dma_wait3A_131 = arith.constant 0 : i32
      %dma_wait3A_132 = tpu.memref_slice %arg2[%dma_wait3A_130, %dma_wait3A_131] : memref<80000x128xf32, #tpu.memory_space<hbm>> -> memref<80000x128xf32, #tpu.memory_space<hbm>>
      tpu.wait_indirect_dma semaphore(%arg26 : memref<!tpu.dma_semaphore, #tpu.memory_space<semaphore_mem>>) src(%dma_wait3A_132 : memref<80000x128xf32, #tpu.memory_space<hbm>>) dst(%arg15 : memref<128x128xf32, #tpu.memory_space<vmem>>)
      %dma_start3A_133 = arith.constant 1 : i32
      %dma_start3A_134 = arith.constant 0 : i32
      %dma_start3A_135 = tpu.memref_slice %arg7[%dma_start3A_133, %dma_start3A_134] : memref<2x128xi32, #tpu.memory_space<vmem>> -> memref<1x128xi32, #tpu.memory_space<vmem>>
      %dma_start3A_136 = tpu.memref_squeeze %dma_start3A_135 : memref<1x128xi32, #tpu.memory_space<vmem>> -> memref<128xi32, #tpu.memory_space<vmem>>
      %dma_start3A_137 = arith.constant 0 : i32
      %dma_start3A_138 = arith.constant 0 : i32
      %dma_start3A_139 = tpu.memref_slice %arg16[%dma_start3A_137, %dma_start3A_138] : memref<10016x128xf32, #tpu.memory_space<vmem_shared>> -> memref<10016x128xf32, #tpu.memory_space<vmem_shared>>
      tpu.enqueue_indirect_dma source(%arg15 : memref<128x128xf32, #tpu.memory_space<vmem>>) target(%dma_start3A_139 : memref<10016x128xf32, #tpu.memory_space<vmem_shared>>) offsets(%dma_start3A_136 : memref<128xi32, #tpu.memory_space<vmem>>) semaphore(%arg28 : memref<!tpu.dma_semaphore, #tpu.memory_space<semaphore_mem>>) {add = true}
      %add3A_140 = arith.constant 2 : i32
      %add3A_141 = arith.addi %mul3A_71, %add3A_140 : i32
      %ge3A_142 = arith.constant 1 : i32
      %ge3A_143 = arith.cmpi sge, %add3A_141, %ge3A_142 : i32
      %convert_element_type3A_144 = arith.extui %ge3A_143 : i1 to i32
      %cond3A_145 = arith.constant 0 : i32
      %cond3A_146 = arith.cmpi ne, %convert_element_type3A_144, %cond3A_145 : i32
      scf.if %cond3A_146 {
        %dma_wait3A_350 = arith.constant 1 : i32
        %dma_wait3A_351 = arith.constant 0 : i32
        %dma_wait3A_352 = tpu.memref_slice %arg7[%dma_wait3A_350, %dma_wait3A_351] : memref<2x128xi32, #tpu.memory_space<vmem>> -> memref<1x128xi32, #tpu.memory_space<vmem>>
        %dma_wait3A_353 = tpu.memref_squeeze %dma_wait3A_352 : memref<1x128xi32, #tpu.memory_space<vmem>> -> memref<128xi32, #tpu.memory_space<vmem>>
        %dma_wait3A_354 = arith.constant 0 : i32
        %dma_wait3A_355 = arith.constant 0 : i32
        %dma_wait3A_356 = tpu.memref_slice %arg16[%dma_wait3A_354, %dma_wait3A_355] : memref<10016x128xf32, #tpu.memory_space<vmem_shared>> -> memref<10016x128xf32, #tpu.memory_space<vmem_shared>>
        tpu.wait_indirect_dma semaphore(%arg28 : memref<!tpu.dma_semaphore, #tpu.memory_space<semaphore_mem>>) src(%arg15 : memref<128x128xf32, #tpu.memory_space<vmem>>) dst(%dma_wait3A_356 : memref<10016x128xf32, #tpu.memory_space<vmem_shared>>)
      } else {
      }
      %add3A_147 = arith.constant 4 : i32
      %add3A_148 = arith.addi %add3A_141, %add3A_147 : i32
      %lt3A_149 = arith.constant 80 : i32
      %lt3A_150 = arith.cmpi slt, %add3A_148, %lt3A_149 : i32
      %convert_element_type3A_151 = arith.extui %lt3A_150 : i1 to i32
      %cond3A_152 = arith.constant 0 : i32
      %cond3A_153 = arith.cmpi ne, %convert_element_type3A_151, %cond3A_152 : i32
      scf.if %cond3A_153 {
        %add3A_350 = arith.constant 4 : i32
        %add3A_351 = arith.addi %add3A_141, %add3A_350 : i32
        %dma_start3A_352 = arith.constant 0 : i32
        %dma_start3A_353 = arith.constant 0 : i32
        %dma_start3A_354 = tpu.memref_slice %arg3[%arg0, %arg1, %add3A_351, %dma_start3A_352, %dma_start3A_353] : memref<2x16x80x2x128xi32, #tpu.memory_space<hbm>> -> memref<1x1x1x2x128xi32, #tpu.memory_space<hbm>>
        %dma_start3A_355 = tpu.memref_squeeze %dma_start3A_354 : memref<1x1x1x2x128xi32, #tpu.memory_space<hbm>> -> memref<2x128xi32, #tpu.memory_space<hbm>>
        %dma_start3A_356 = arith.constant 0 : i32
        %dma_start3A_357 = arith.constant 0 : i32
        %dma_start3A_358 = tpu.memref_slice %arg3[%arg0, %arg1, %add3A_351, %dma_start3A_356, %dma_start3A_357] : memref<2x16x80x2x128xi32, #tpu.memory_space<hbm>> -> memref<1x1x1x2x128xi32, #tpu.memory_space<hbm>>
        %dma_start3A_359 = tpu.memref_squeeze %dma_start3A_358 : memref<1x1x1x2x128xi32, #tpu.memory_space<hbm>> -> memref<2x128xi32, #tpu.memory_space<hbm>>
        tpu.enqueue_dma source(%dma_start3A_359 : memref<2x128xi32, #tpu.memory_space<hbm>>) target(%arg12 : memref<2x128xi32, #tpu.memory_space<vmem>>) target_semaphore(%arg23 : memref<!tpu.dma_semaphore, #tpu.memory_space<semaphore_mem>>)
      } else {
      }
      %add3A_154 = arith.constant 1 : i32
      %add3A_155 = arith.addi %add3A_141, %add3A_154 : i32
      %lt3A_156 = arith.constant 80 : i32
      %lt3A_157 = arith.cmpi slt, %add3A_155, %lt3A_156 : i32
      %convert_element_type3A_158 = arith.extui %lt3A_157 : i1 to i32
      %cond3A_159 = arith.constant 0 : i32
      %cond3A_160 = arith.cmpi ne, %convert_element_type3A_158, %cond3A_159 : i32
      scf.if %cond3A_160 {
        %add3A_350 = arith.constant 1 : i32
        %add3A_351 = arith.addi %add3A_141, %add3A_350 : i32
        %dma_wait3A_352 = arith.constant 0 : i32
        %dma_wait3A_353 = arith.constant 0 : i32
        %dma_wait3A_354 = tpu.memref_slice %arg3[%arg0, %arg1, %add3A_351, %dma_wait3A_352, %dma_wait3A_353] : memref<2x16x80x2x128xi32, #tpu.memory_space<hbm>> -> memref<1x1x1x2x128xi32, #tpu.memory_space<hbm>>
        %dma_wait3A_355 = tpu.memref_squeeze %dma_wait3A_354 : memref<1x1x1x2x128xi32, #tpu.memory_space<hbm>> -> memref<2x128xi32, #tpu.memory_space<hbm>>
        %dma_wait3A_356 = arith.constant 0 : i32
        %dma_wait3A_357 = arith.constant 0 : i32
        %dma_wait3A_358 = tpu.memref_slice %arg3[%arg0, %arg1, %add3A_351, %dma_wait3A_356, %dma_wait3A_357] : memref<2x16x80x2x128xi32, #tpu.memory_space<hbm>> -> memref<1x1x1x2x128xi32, #tpu.memory_space<hbm>>
        %dma_wait3A_359 = tpu.memref_squeeze %dma_wait3A_358 : memref<1x1x1x2x128xi32, #tpu.memory_space<hbm>> -> memref<2x128xi32, #tpu.memory_space<hbm>>
        tpu.wait_dma2 semaphore(%arg20 : memref<!tpu.dma_semaphore, #tpu.memory_space<semaphore_mem>>) src(%dma_wait3A_359 : memref<2x128xi32, #tpu.memory_space<hbm>>) dst(%arg9 : memref<2x128xi32, #tpu.memory_space<vmem>>)
        %dma_start3A_360 = arith.constant 0 : i32
        %dma_start3A_361 = arith.constant 0 : i32
        %dma_start3A_362 = tpu.memref_slice %arg9[%dma_start3A_360, %dma_start3A_361] : memref<2x128xi32, #tpu.memory_space<vmem>> -> memref<1x128xi32, #tpu.memory_space<vmem>>
        %dma_start3A_363 = tpu.memref_squeeze %dma_start3A_362 : memref<1x128xi32, #tpu.memory_space<vmem>> -> memref<128xi32, #tpu.memory_space<vmem>>
        %dma_start3A_364 = arith.constant 0 : i32
        %dma_start3A_365 = arith.constant 0 : i32
        %dma_start3A_366 = tpu.memref_slice %arg2[%dma_start3A_364, %dma_start3A_365] : memref<80000x128xf32, #tpu.memory_space<hbm>> -> memref<80000x128xf32, #tpu.memory_space<hbm>>
        tpu.enqueue_indirect_dma source(%dma_start3A_366 : memref<80000x128xf32, #tpu.memory_space<hbm>>) target(%arg15 : memref<128x128xf32, #tpu.memory_space<vmem>>) offsets(%dma_start3A_363 : memref<128xi32, #tpu.memory_space<vmem>>) semaphore(%arg26 : memref<!tpu.dma_semaphore, #tpu.memory_space<semaphore_mem>>)
      } else {
      }
      %dma_wait3A_161 = arith.constant 0 : i32
      %dma_wait3A_162 = arith.constant 0 : i32
      %dma_wait3A_163 = tpu.memref_slice %arg8[%dma_wait3A_161, %dma_wait3A_162] : memref<2x128xi32, #tpu.memory_space<vmem>> -> memref<1x128xi32, #tpu.memory_space<vmem>>
      %dma_wait3A_164 = tpu.memref_squeeze %dma_wait3A_163 : memref<1x128xi32, #tpu.memory_space<vmem>> -> memref<128xi32, #tpu.memory_space<vmem>>
      %dma_wait3A_165 = arith.constant 0 : i32
      %dma_wait3A_166 = arith.constant 0 : i32
      %dma_wait3A_167 = tpu.memref_slice %arg2[%dma_wait3A_165, %dma_wait3A_166] : memref<80000x128xf32, #tpu.memory_space<hbm>> -> memref<80000x128xf32, #tpu.memory_space<hbm>>
      tpu.wait_indirect_dma semaphore(%arg25 : memref<!tpu.dma_semaphore, #tpu.memory_space<semaphore_mem>>) src(%dma_wait3A_167 : memref<80000x128xf32, #tpu.memory_space<hbm>>) dst(%arg14 : memref<128x128xf32, #tpu.memory_space<vmem>>)
      %dma_start3A_168 = arith.constant 1 : i32
      %dma_start3A_169 = arith.constant 0 : i32
      %dma_start3A_170 = tpu.memref_slice %arg8[%dma_start3A_168, %dma_start3A_169] : memref<2x128xi32, #tpu.memory_space<vmem>> -> memref<1x128xi32, #tpu.memory_space<vmem>>
      %dma_start3A_171 = tpu.memref_squeeze %dma_start3A_170 : memref<1x128xi32, #tpu.memory_space<vmem>> -> memref<128xi32, #tpu.memory_space<vmem>>
      %dma_start3A_172 = arith.constant 0 : i32
      %dma_start3A_173 = arith.constant 0 : i32
      %dma_start3A_174 = tpu.memref_slice %arg16[%dma_start3A_172, %dma_start3A_173] : memref<10016x128xf32, #tpu.memory_space<vmem_shared>> -> memref<10016x128xf32, #tpu.memory_space<vmem_shared>>
      tpu.enqueue_indirect_dma source(%arg14 : memref<128x128xf32, #tpu.memory_space<vmem>>) target(%dma_start3A_174 : memref<10016x128xf32, #tpu.memory_space<vmem_shared>>) offsets(%dma_start3A_171 : memref<128xi32, #tpu.memory_space<vmem>>) semaphore(%arg27 : memref<!tpu.dma_semaphore, #tpu.memory_space<semaphore_mem>>) {add = true}
      %add3A_175 = arith.constant 3 : i32
      %add3A_176 = arith.addi %mul3A_71, %add3A_175 : i32
      %ge3A_177 = arith.constant 1 : i32
      %ge3A_178 = arith.cmpi sge, %add3A_176, %ge3A_177 : i32
      %convert_element_type3A_179 = arith.extui %ge3A_178 : i1 to i32
      %cond3A_180 = arith.constant 0 : i32
      %cond3A_181 = arith.cmpi ne, %convert_element_type3A_179, %cond3A_180 : i32
      scf.if %cond3A_181 {
        %dma_wait3A_350 = arith.constant 1 : i32
        %dma_wait3A_351 = arith.constant 0 : i32
        %dma_wait3A_352 = tpu.memref_slice %arg8[%dma_wait3A_350, %dma_wait3A_351] : memref<2x128xi32, #tpu.memory_space<vmem>> -> memref<1x128xi32, #tpu.memory_space<vmem>>
        %dma_wait3A_353 = tpu.memref_squeeze %dma_wait3A_352 : memref<1x128xi32, #tpu.memory_space<vmem>> -> memref<128xi32, #tpu.memory_space<vmem>>
        %dma_wait3A_354 = arith.constant 0 : i32
        %dma_wait3A_355 = arith.constant 0 : i32
        %dma_wait3A_356 = tpu.memref_slice %arg16[%dma_wait3A_354, %dma_wait3A_355] : memref<10016x128xf32, #tpu.memory_space<vmem_shared>> -> memref<10016x128xf32, #tpu.memory_space<vmem_shared>>
        tpu.wait_indirect_dma semaphore(%arg27 : memref<!tpu.dma_semaphore, #tpu.memory_space<semaphore_mem>>) src(%arg14 : memref<128x128xf32, #tpu.memory_space<vmem>>) dst(%dma_wait3A_356 : memref<10016x128xf32, #tpu.memory_space<vmem_shared>>)
      } else {
      }
      %add3A_182 = arith.constant 4 : i32
      %add3A_183 = arith.addi %add3A_176, %add3A_182 : i32
      %lt3A_184 = arith.constant 80 : i32
      %lt3A_185 = arith.cmpi slt, %add3A_183, %lt3A_184 : i32
      %convert_element_type3A_186 = arith.extui %lt3A_185 : i1 to i32
      %cond3A_187 = arith.constant 0 : i32
      %cond3A_188 = arith.cmpi ne, %convert_element_type3A_186, %cond3A_187 : i32
      scf.if %cond3A_188 {
        %add3A_350 = arith.constant 4 : i32
        %add3A_351 = arith.addi %add3A_176, %add3A_350 : i32
        %dma_start3A_352 = arith.constant 0 : i32
        %dma_start3A_353 = arith.constant 0 : i32
        %dma_start3A_354 = tpu.memref_slice %arg3[%arg0, %arg1, %add3A_351, %dma_start3A_352, %dma_start3A_353] : memref<2x16x80x2x128xi32, #tpu.memory_space<hbm>> -> memref<1x1x1x2x128xi32, #tpu.memory_space<hbm>>
        %dma_start3A_355 = tpu.memref_squeeze %dma_start3A_354 : memref<1x1x1x2x128xi32, #tpu.memory_space<hbm>> -> memref<2x128xi32, #tpu.memory_space<hbm>>
        %dma_start3A_356 = arith.constant 0 : i32
        %dma_start3A_357 = arith.constant 0 : i32
        %dma_start3A_358 = tpu.memref_slice %arg3[%arg0, %arg1, %add3A_351, %dma_start3A_356, %dma_start3A_357] : memref<2x16x80x2x128xi32, #tpu.memory_space<hbm>> -> memref<1x1x1x2x128xi32, #tpu.memory_space<hbm>>
        %dma_start3A_359 = tpu.memref_squeeze %dma_start3A_358 : memref<1x1x1x2x128xi32, #tpu.memory_space<hbm>> -> memref<2x128xi32, #tpu.memory_space<hbm>>
        tpu.enqueue_dma source(%dma_start3A_359 : memref<2x128xi32, #tpu.memory_space<hbm>>) target(%arg13 : memref<2x128xi32, #tpu.memory_space<vmem>>) target_semaphore(%arg24 : memref<!tpu.dma_semaphore, #tpu.memory_space<semaphore_mem>>)
      } else {
      }
      %add3A_189 = arith.constant 1 : i32
      %add3A_190 = arith.addi %add3A_176, %add3A_189 : i32
      %lt3A_191 = arith.constant 80 : i32
      %lt3A_192 = arith.cmpi slt, %add3A_190, %lt3A_191 : i32
      %convert_element_type3A_193 = arith.extui %lt3A_192 : i1 to i32
      %cond3A_194 = arith.constant 0 : i32
      %cond3A_195 = arith.cmpi ne, %convert_element_type3A_193, %cond3A_194 : i32
      scf.if %cond3A_195 {
        %add3A_350 = arith.constant 1 : i32
        %add3A_351 = arith.addi %add3A_176, %add3A_350 : i32
        %dma_wait3A_352 = arith.constant 0 : i32
        %dma_wait3A_353 = arith.constant 0 : i32
        %dma_wait3A_354 = tpu.memref_slice %arg3[%arg0, %arg1, %add3A_351, %dma_wait3A_352, %dma_wait3A_353] : memref<2x16x80x2x128xi32, #tpu.memory_space<hbm>> -> memref<1x1x1x2x128xi32, #tpu.memory_space<hbm>>
        %dma_wait3A_355 = tpu.memref_squeeze %dma_wait3A_354 : memref<1x1x1x2x128xi32, #tpu.memory_space<hbm>> -> memref<2x128xi32, #tpu.memory_space<hbm>>
        %dma_wait3A_356 = arith.constant 0 : i32
        %dma_wait3A_357 = arith.constant 0 : i32
        %dma_wait3A_358 = tpu.memref_slice %arg3[%arg0, %arg1, %add3A_351, %dma_wait3A_356, %dma_wait3A_357] : memref<2x16x80x2x128xi32, #tpu.memory_space<hbm>> -> memref<1x1x1x2x128xi32, #tpu.memory_space<hbm>>
        %dma_wait3A_359 = tpu.memref_squeeze %dma_wait3A_358 : memref<1x1x1x2x128xi32, #tpu.memory_space<hbm>> -> memref<2x128xi32, #tpu.memory_space<hbm>>
        tpu.wait_dma2 semaphore(%arg21 : memref<!tpu.dma_semaphore, #tpu.memory_space<semaphore_mem>>) src(%dma_wait3A_359 : memref<2x128xi32, #tpu.memory_space<hbm>>) dst(%arg10 : memref<2x128xi32, #tpu.memory_space<vmem>>)
        %dma_start3A_360 = arith.constant 0 : i32
        %dma_start3A_361 = arith.constant 0 : i32
        %dma_start3A_362 = tpu.memref_slice %arg10[%dma_start3A_360, %dma_start3A_361] : memref<2x128xi32, #tpu.memory_space<vmem>> -> memref<1x128xi32, #tpu.memory_space<vmem>>
        %dma_start3A_363 = tpu.memref_squeeze %dma_start3A_362 : memref<1x128xi32, #tpu.memory_space<vmem>> -> memref<128xi32, #tpu.memory_space<vmem>>
        %dma_start3A_364 = arith.constant 0 : i32
        %dma_start3A_365 = arith.constant 0 : i32
        %dma_start3A_366 = tpu.memref_slice %arg2[%dma_start3A_364, %dma_start3A_365] : memref<80000x128xf32, #tpu.memory_space<hbm>> -> memref<80000x128xf32, #tpu.memory_space<hbm>>
        tpu.enqueue_indirect_dma source(%dma_start3A_366 : memref<80000x128xf32, #tpu.memory_space<hbm>>) target(%arg14 : memref<128x128xf32, #tpu.memory_space<vmem>>) offsets(%dma_start3A_363 : memref<128xi32, #tpu.memory_space<vmem>>) semaphore(%arg25 : memref<!tpu.dma_semaphore, #tpu.memory_space<semaphore_mem>>)
      } else {
      }
      %dma_wait3A_196 = arith.constant 0 : i32
      %dma_wait3A_197 = arith.constant 0 : i32
      %dma_wait3A_198 = tpu.memref_slice %arg9[%dma_wait3A_196, %dma_wait3A_197] : memref<2x128xi32, #tpu.memory_space<vmem>> -> memref<1x128xi32, #tpu.memory_space<vmem>>
      %dma_wait3A_199 = tpu.memref_squeeze %dma_wait3A_198 : memref<1x128xi32, #tpu.memory_space<vmem>> -> memref<128xi32, #tpu.memory_space<vmem>>
      %dma_wait3A_200 = arith.constant 0 : i32
      %dma_wait3A_201 = arith.constant 0 : i32
      %dma_wait3A_202 = tpu.memref_slice %arg2[%dma_wait3A_200, %dma_wait3A_201] : memref<80000x128xf32, #tpu.memory_space<hbm>> -> memref<80000x128xf32, #tpu.memory_space<hbm>>
      tpu.wait_indirect_dma semaphore(%arg26 : memref<!tpu.dma_semaphore, #tpu.memory_space<semaphore_mem>>) src(%dma_wait3A_202 : memref<80000x128xf32, #tpu.memory_space<hbm>>) dst(%arg15 : memref<128x128xf32, #tpu.memory_space<vmem>>)
      %dma_start3A_203 = arith.constant 1 : i32
      %dma_start3A_204 = arith.constant 0 : i32
      %dma_start3A_205 = tpu.memref_slice %arg9[%dma_start3A_203, %dma_start3A_204] : memref<2x128xi32, #tpu.memory_space<vmem>> -> memref<1x128xi32, #tpu.memory_space<vmem>>
      %dma_start3A_206 = tpu.memref_squeeze %dma_start3A_205 : memref<1x128xi32, #tpu.memory_space<vmem>> -> memref<128xi32, #tpu.memory_space<vmem>>
      %dma_start3A_207 = arith.constant 0 : i32
      %dma_start3A_208 = arith.constant 0 : i32
      %dma_start3A_209 = tpu.memref_slice %arg16[%dma_start3A_207, %dma_start3A_208] : memref<10016x128xf32, #tpu.memory_space<vmem_shared>> -> memref<10016x128xf32, #tpu.memory_space<vmem_shared>>
      tpu.enqueue_indirect_dma source(%arg15 : memref<128x128xf32, #tpu.memory_space<vmem>>) target(%dma_start3A_209 : memref<10016x128xf32, #tpu.memory_space<vmem_shared>>) offsets(%dma_start3A_206 : memref<128xi32, #tpu.memory_space<vmem>>) semaphore(%arg28 : memref<!tpu.dma_semaphore, #tpu.memory_space<semaphore_mem>>) {add = true}
      %add3A_210 = arith.constant 4 : i32
      %add3A_211 = arith.addi %mul3A_71, %add3A_210 : i32
      %ge3A_212 = arith.constant 1 : i32
      %ge3A_213 = arith.cmpi sge, %add3A_211, %ge3A_212 : i32
      %convert_element_type3A_214 = arith.extui %ge3A_213 : i1 to i32
      %cond3A_215 = arith.constant 0 : i32
      %cond3A_216 = arith.cmpi ne, %convert_element_type3A_214, %cond3A_215 : i32
      scf.if %cond3A_216 {
        %dma_wait3A_350 = arith.constant 1 : i32
        %dma_wait3A_351 = arith.constant 0 : i32
        %dma_wait3A_352 = tpu.memref_slice %arg9[%dma_wait3A_350, %dma_wait3A_351] : memref<2x128xi32, #tpu.memory_space<vmem>> -> memref<1x128xi32, #tpu.memory_space<vmem>>
        %dma_wait3A_353 = tpu.memref_squeeze %dma_wait3A_352 : memref<1x128xi32, #tpu.memory_space<vmem>> -> memref<128xi32, #tpu.memory_space<vmem>>
        %dma_wait3A_354 = arith.constant 0 : i32
        %dma_wait3A_355 = arith.constant 0 : i32
        %dma_wait3A_356 = tpu.memref_slice %arg16[%dma_wait3A_354, %dma_wait3A_355] : memref<10016x128xf32, #tpu.memory_space<vmem_shared>> -> memref<10016x128xf32, #tpu.memory_space<vmem_shared>>
        tpu.wait_indirect_dma semaphore(%arg28 : memref<!tpu.dma_semaphore, #tpu.memory_space<semaphore_mem>>) src(%arg15 : memref<128x128xf32, #tpu.memory_space<vmem>>) dst(%dma_wait3A_356 : memref<10016x128xf32, #tpu.memory_space<vmem_shared>>)
      } else {
      }
      %add3A_217 = arith.constant 4 : i32
      %add3A_218 = arith.addi %add3A_211, %add3A_217 : i32
      %lt3A_219 = arith.constant 80 : i32
      %lt3A_220 = arith.cmpi slt, %add3A_218, %lt3A_219 : i32
      %convert_element_type3A_221 = arith.extui %lt3A_220 : i1 to i32
      %cond3A_222 = arith.constant 0 : i32
      %cond3A_223 = arith.cmpi ne, %convert_element_type3A_221, %cond3A_222 : i32
      scf.if %cond3A_223 {
        %add3A_350 = arith.constant 4 : i32
        %add3A_351 = arith.addi %add3A_211, %add3A_350 : i32
        %dma_start3A_352 = arith.constant 0 : i32
        %dma_start3A_353 = arith.constant 0 : i32
        %dma_start3A_354 = tpu.memref_slice %arg3[%arg0, %arg1, %add3A_351, %dma_start3A_352, %dma_start3A_353] : memref<2x16x80x2x128xi32, #tpu.memory_space<hbm>> -> memref<1x1x1x2x128xi32, #tpu.memory_space<hbm>>
        %dma_start3A_355 = tpu.memref_squeeze %dma_start3A_354 : memref<1x1x1x2x128xi32, #tpu.memory_space<hbm>> -> memref<2x128xi32, #tpu.memory_space<hbm>>
        %dma_start3A_356 = arith.constant 0 : i32
        %dma_start3A_357 = arith.constant 0 : i32
        %dma_start3A_358 = tpu.memref_slice %arg3[%arg0, %arg1, %add3A_351, %dma_start3A_356, %dma_start3A_357] : memref<2x16x80x2x128xi32, #tpu.memory_space<hbm>> -> memref<1x1x1x2x128xi32, #tpu.memory_space<hbm>>
        %dma_start3A_359 = tpu.memref_squeeze %dma_start3A_358 : memref<1x1x1x2x128xi32, #tpu.memory_space<hbm>> -> memref<2x128xi32, #tpu.memory_space<hbm>>
        tpu.enqueue_dma source(%dma_start3A_359 : memref<2x128xi32, #tpu.memory_space<hbm>>) target(%arg6 : memref<2x128xi32, #tpu.memory_space<vmem>>) target_semaphore(%arg17 : memref<!tpu.dma_semaphore, #tpu.memory_space<semaphore_mem>>)
      } else {
      }
      %add3A_224 = arith.constant 1 : i32
      %add3A_225 = arith.addi %add3A_211, %add3A_224 : i32
      %lt3A_226 = arith.constant 80 : i32
      %lt3A_227 = arith.cmpi slt, %add3A_225, %lt3A_226 : i32
      %convert_element_type3A_228 = arith.extui %lt3A_227 : i1 to i32
      %cond3A_229 = arith.constant 0 : i32
      %cond3A_230 = arith.cmpi ne, %convert_element_type3A_228, %cond3A_229 : i32
      scf.if %cond3A_230 {
        %add3A_350 = arith.constant 1 : i32
        %add3A_351 = arith.addi %add3A_211, %add3A_350 : i32
        %dma_wait3A_352 = arith.constant 0 : i32
        %dma_wait3A_353 = arith.constant 0 : i32
        %dma_wait3A_354 = tpu.memref_slice %arg3[%arg0, %arg1, %add3A_351, %dma_wait3A_352, %dma_wait3A_353] : memref<2x16x80x2x128xi32, #tpu.memory_space<hbm>> -> memref<1x1x1x2x128xi32, #tpu.memory_space<hbm>>
        %dma_wait3A_355 = tpu.memref_squeeze %dma_wait3A_354 : memref<1x1x1x2x128xi32, #tpu.memory_space<hbm>> -> memref<2x128xi32, #tpu.memory_space<hbm>>
        %dma_wait3A_356 = arith.constant 0 : i32
        %dma_wait3A_357 = arith.constant 0 : i32
        %dma_wait3A_358 = tpu.memref_slice %arg3[%arg0, %arg1, %add3A_351, %dma_wait3A_356, %dma_wait3A_357] : memref<2x16x80x2x128xi32, #tpu.memory_space<hbm>> -> memref<1x1x1x2x128xi32, #tpu.memory_space<hbm>>
        %dma_wait3A_359 = tpu.memref_squeeze %dma_wait3A_358 : memref<1x1x1x2x128xi32, #tpu.memory_space<hbm>> -> memref<2x128xi32, #tpu.memory_space<hbm>>
        tpu.wait_dma2 semaphore(%arg22 : memref<!tpu.dma_semaphore, #tpu.memory_space<semaphore_mem>>) src(%dma_wait3A_359 : memref<2x128xi32, #tpu.memory_space<hbm>>) dst(%arg11 : memref<2x128xi32, #tpu.memory_space<vmem>>)
        %dma_start3A_360 = arith.constant 0 : i32
        %dma_start3A_361 = arith.constant 0 : i32
        %dma_start3A_362 = tpu.memref_slice %arg11[%dma_start3A_360, %dma_start3A_361] : memref<2x128xi32, #tpu.memory_space<vmem>> -> memref<1x128xi32, #tpu.memory_space<vmem>>
        %dma_start3A_363 = tpu.memref_squeeze %dma_start3A_362 : memref<1x128xi32, #tpu.memory_space<vmem>> -> memref<128xi32, #tpu.memory_space<vmem>>
        %dma_start3A_364 = arith.constant 0 : i32
        %dma_start3A_365 = arith.constant 0 : i32
        %dma_start3A_366 = tpu.memref_slice %arg2[%dma_start3A_364, %dma_start3A_365] : memref<80000x128xf32, #tpu.memory_space<hbm>> -> memref<80000x128xf32, #tpu.memory_space<hbm>>
        tpu.enqueue_indirect_dma source(%dma_start3A_366 : memref<80000x128xf32, #tpu.memory_space<hbm>>) target(%arg15 : memref<128x128xf32, #tpu.memory_space<vmem>>) offsets(%dma_start3A_363 : memref<128xi32, #tpu.memory_space<vmem>>) semaphore(%arg26 : memref<!tpu.dma_semaphore, #tpu.memory_space<semaphore_mem>>)
      } else {
      }
      %dma_wait3A_231 = arith.constant 0 : i32
      %dma_wait3A_232 = arith.constant 0 : i32
      %dma_wait3A_233 = tpu.memref_slice %arg10[%dma_wait3A_231, %dma_wait3A_232] : memref<2x128xi32, #tpu.memory_space<vmem>> -> memref<1x128xi32, #tpu.memory_space<vmem>>
      %dma_wait3A_234 = tpu.memref_squeeze %dma_wait3A_233 : memref<1x128xi32, #tpu.memory_space<vmem>> -> memref<128xi32, #tpu.memory_space<vmem>>
      %dma_wait3A_235 = arith.constant 0 : i32
      %dma_wait3A_236 = arith.constant 0 : i32
      %dma_wait3A_237 = tpu.memref_slice %arg2[%dma_wait3A_235, %dma_wait3A_236] : memref<80000x128xf32, #tpu.memory_space<hbm>> -> memref<80000x128xf32, #tpu.memory_space<hbm>>
      tpu.wait_indirect_dma semaphore(%arg25 : memref<!tpu.dma_semaphore, #tpu.memory_space<semaphore_mem>>) src(%dma_wait3A_237 : memref<80000x128xf32, #tpu.memory_space<hbm>>) dst(%arg14 : memref<128x128xf32, #tpu.memory_space<vmem>>)
      %dma_start3A_238 = arith.constant 1 : i32
      %dma_start3A_239 = arith.constant 0 : i32
      %dma_start3A_240 = tpu.memref_slice %arg10[%dma_start3A_238, %dma_start3A_239] : memref<2x128xi32, #tpu.memory_space<vmem>> -> memref<1x128xi32, #tpu.memory_space<vmem>>
      %dma_start3A_241 = tpu.memref_squeeze %dma_start3A_240 : memref<1x128xi32, #tpu.memory_space<vmem>> -> memref<128xi32, #tpu.memory_space<vmem>>
      %dma_start3A_242 = arith.constant 0 : i32
      %dma_start3A_243 = arith.constant 0 : i32
      %dma_start3A_244 = tpu.memref_slice %arg16[%dma_start3A_242, %dma_start3A_243] : memref<10016x128xf32, #tpu.memory_space<vmem_shared>> -> memref<10016x128xf32, #tpu.memory_space<vmem_shared>>
      tpu.enqueue_indirect_dma source(%arg14 : memref<128x128xf32, #tpu.memory_space<vmem>>) target(%dma_start3A_244 : memref<10016x128xf32, #tpu.memory_space<vmem_shared>>) offsets(%dma_start3A_241 : memref<128xi32, #tpu.memory_space<vmem>>) semaphore(%arg27 : memref<!tpu.dma_semaphore, #tpu.memory_space<semaphore_mem>>) {add = true}
      %add3A_245 = arith.constant 5 : i32
      %add3A_246 = arith.addi %mul3A_71, %add3A_245 : i32
      %ge3A_247 = arith.constant 1 : i32
      %ge3A_248 = arith.cmpi sge, %add3A_246, %ge3A_247 : i32
      %convert_element_type3A_249 = arith.extui %ge3A_248 : i1 to i32
      %cond3A_250 = arith.constant 0 : i32
      %cond3A_251 = arith.cmpi ne, %convert_element_type3A_249, %cond3A_250 : i32
      scf.if %cond3A_251 {
        %dma_wait3A_350 = arith.constant 1 : i32
        %dma_wait3A_351 = arith.constant 0 : i32
        %dma_wait3A_352 = tpu.memref_slice %arg10[%dma_wait3A_350, %dma_wait3A_351] : memref<2x128xi32, #tpu.memory_space<vmem>> -> memref<1x128xi32, #tpu.memory_space<vmem>>
        %dma_wait3A_353 = tpu.memref_squeeze %dma_wait3A_352 : memref<1x128xi32, #tpu.memory_space<vmem>> -> memref<128xi32, #tpu.memory_space<vmem>>
        %dma_wait3A_354 = arith.constant 0 : i32
        %dma_wait3A_355 = arith.constant 0 : i32
        %dma_wait3A_356 = tpu.memref_slice %arg16[%dma_wait3A_354, %dma_wait3A_355] : memref<10016x128xf32, #tpu.memory_space<vmem_shared>> -> memref<10016x128xf32, #tpu.memory_space<vmem_shared>>
        tpu.wait_indirect_dma semaphore(%arg27 : memref<!tpu.dma_semaphore, #tpu.memory_space<semaphore_mem>>) src(%arg14 : memref<128x128xf32, #tpu.memory_space<vmem>>) dst(%dma_wait3A_356 : memref<10016x128xf32, #tpu.memory_space<vmem_shared>>)
      } else {
      }
      %add3A_252 = arith.constant 4 : i32
      %add3A_253 = arith.addi %add3A_246, %add3A_252 : i32
      %lt3A_254 = arith.constant 80 : i32
      %lt3A_255 = arith.cmpi slt, %add3A_253, %lt3A_254 : i32
      %convert_element_type3A_256 = arith.extui %lt3A_255 : i1 to i32
      %cond3A_257 = arith.constant 0 : i32
      %cond3A_258 = arith.cmpi ne, %convert_element_type3A_256, %cond3A_257 : i32
      scf.if %cond3A_258 {
        %add3A_350 = arith.constant 4 : i32
        %add3A_351 = arith.addi %add3A_246, %add3A_350 : i32
        %dma_start3A_352 = arith.constant 0 : i32
        %dma_start3A_353 = arith.constant 0 : i32
        %dma_start3A_354 = tpu.memref_slice %arg3[%arg0, %arg1, %add3A_351, %dma_start3A_352, %dma_start3A_353] : memref<2x16x80x2x128xi32, #tpu.memory_space<hbm>> -> memref<1x1x1x2x128xi32, #tpu.memory_space<hbm>>
        %dma_start3A_355 = tpu.memref_squeeze %dma_start3A_354 : memref<1x1x1x2x128xi32, #tpu.memory_space<hbm>> -> memref<2x128xi32, #tpu.memory_space<hbm>>
        %dma_start3A_356 = arith.constant 0 : i32
        %dma_start3A_357 = arith.constant 0 : i32
        %dma_start3A_358 = tpu.memref_slice %arg3[%arg0, %arg1, %add3A_351, %dma_start3A_356, %dma_start3A_357] : memref<2x16x80x2x128xi32, #tpu.memory_space<hbm>> -> memref<1x1x1x2x128xi32, #tpu.memory_space<hbm>>
        %dma_start3A_359 = tpu.memref_squeeze %dma_start3A_358 : memref<1x1x1x2x128xi32, #tpu.memory_space<hbm>> -> memref<2x128xi32, #tpu.memory_space<hbm>>
        tpu.enqueue_dma source(%dma_start3A_359 : memref<2x128xi32, #tpu.memory_space<hbm>>) target(%arg7 : memref<2x128xi32, #tpu.memory_space<vmem>>) target_semaphore(%arg18 : memref<!tpu.dma_semaphore, #tpu.memory_space<semaphore_mem>>)
      } else {
      }
      %add3A_259 = arith.constant 1 : i32
      %add3A_260 = arith.addi %add3A_246, %add3A_259 : i32
      %lt3A_261 = arith.constant 80 : i32
      %lt3A_262 = arith.cmpi slt, %add3A_260, %lt3A_261 : i32
      %convert_element_type3A_263 = arith.extui %lt3A_262 : i1 to i32
      %cond3A_264 = arith.constant 0 : i32
      %cond3A_265 = arith.cmpi ne, %convert_element_type3A_263, %cond3A_264 : i32
      scf.if %cond3A_265 {
        %add3A_350 = arith.constant 1 : i32
        %add3A_351 = arith.addi %add3A_246, %add3A_350 : i32
        %dma_wait3A_352 = arith.constant 0 : i32
        %dma_wait3A_353 = arith.constant 0 : i32
        %dma_wait3A_354 = tpu.memref_slice %arg3[%arg0, %arg1, %add3A_351, %dma_wait3A_352, %dma_wait3A_353] : memref<2x16x80x2x128xi32, #tpu.memory_space<hbm>> -> memref<1x1x1x2x128xi32, #tpu.memory_space<hbm>>
        %dma_wait3A_355 = tpu.memref_squeeze %dma_wait3A_354 : memref<1x1x1x2x128xi32, #tpu.memory_space<hbm>> -> memref<2x128xi32, #tpu.memory_space<hbm>>
        %dma_wait3A_356 = arith.constant 0 : i32
        %dma_wait3A_357 = arith.constant 0 : i32
        %dma_wait3A_358 = tpu.memref_slice %arg3[%arg0, %arg1, %add3A_351, %dma_wait3A_356, %dma_wait3A_357] : memref<2x16x80x2x128xi32, #tpu.memory_space<hbm>> -> memref<1x1x1x2x128xi32, #tpu.memory_space<hbm>>
        %dma_wait3A_359 = tpu.memref_squeeze %dma_wait3A_358 : memref<1x1x1x2x128xi32, #tpu.memory_space<hbm>> -> memref<2x128xi32, #tpu.memory_space<hbm>>
        tpu.wait_dma2 semaphore(%arg23 : memref<!tpu.dma_semaphore, #tpu.memory_space<semaphore_mem>>) src(%dma_wait3A_359 : memref<2x128xi32, #tpu.memory_space<hbm>>) dst(%arg12 : memref<2x128xi32, #tpu.memory_space<vmem>>)
        %dma_start3A_360 = arith.constant 0 : i32
        %dma_start3A_361 = arith.constant 0 : i32
        %dma_start3A_362 = tpu.memref_slice %arg12[%dma_start3A_360, %dma_start3A_361] : memref<2x128xi32, #tpu.memory_space<vmem>> -> memref<1x128xi32, #tpu.memory_space<vmem>>
        %dma_start3A_363 = tpu.memref_squeeze %dma_start3A_362 : memref<1x128xi32, #tpu.memory_space<vmem>> -> memref<128xi32, #tpu.memory_space<vmem>>
        %dma_start3A_364 = arith.constant 0 : i32
        %dma_start3A_365 = arith.constant 0 : i32
        %dma_start3A_366 = tpu.memref_slice %arg2[%dma_start3A_364, %dma_start3A_365] : memref<80000x128xf32, #tpu.memory_space<hbm>> -> memref<80000x128xf32, #tpu.memory_space<hbm>>
        tpu.enqueue_indirect_dma source(%dma_start3A_366 : memref<80000x128xf32, #tpu.memory_space<hbm>>) target(%arg14 : memref<128x128xf32, #tpu.memory_space<vmem>>) offsets(%dma_start3A_363 : memref<128xi32, #tpu.memory_space<vmem>>) semaphore(%arg25 : memref<!tpu.dma_semaphore, #tpu.memory_space<semaphore_mem>>)
      } else {
      }
      %dma_wait3A_266 = arith.constant 0 : i32
      %dma_wait3A_267 = arith.constant 0 : i32
      %dma_wait3A_268 = tpu.memref_slice %arg11[%dma_wait3A_266, %dma_wait3A_267] : memref<2x128xi32, #tpu.memory_space<vmem>> -> memref<1x128xi32, #tpu.memory_space<vmem>>
      %dma_wait3A_269 = tpu.memref_squeeze %dma_wait3A_268 : memref<1x128xi32, #tpu.memory_space<vmem>> -> memref<128xi32, #tpu.memory_space<vmem>>
      %dma_wait3A_270 = arith.constant 0 : i32
      %dma_wait3A_271 = arith.constant 0 : i32
      %dma_wait3A_272 = tpu.memref_slice %arg2[%dma_wait3A_270, %dma_wait3A_271] : memref<80000x128xf32, #tpu.memory_space<hbm>> -> memref<80000x128xf32, #tpu.memory_space<hbm>>
      tpu.wait_indirect_dma semaphore(%arg26 : memref<!tpu.dma_semaphore, #tpu.memory_space<semaphore_mem>>) src(%dma_wait3A_272 : memref<80000x128xf32, #tpu.memory_space<hbm>>) dst(%arg15 : memref<128x128xf32, #tpu.memory_space<vmem>>)
      %dma_start3A_273 = arith.constant 1 : i32
      %dma_start3A_274 = arith.constant 0 : i32
      %dma_start3A_275 = tpu.memref_slice %arg11[%dma_start3A_273, %dma_start3A_274] : memref<2x128xi32, #tpu.memory_space<vmem>> -> memref<1x128xi32, #tpu.memory_space<vmem>>
      %dma_start3A_276 = tpu.memref_squeeze %dma_start3A_275 : memref<1x128xi32, #tpu.memory_space<vmem>> -> memref<128xi32, #tpu.memory_space<vmem>>
      %dma_start3A_277 = arith.constant 0 : i32
      %dma_start3A_278 = arith.constant 0 : i32
      %dma_start3A_279 = tpu.memref_slice %arg16[%dma_start3A_277, %dma_start3A_278] : memref<10016x128xf32, #tpu.memory_space<vmem_shared>> -> memref<10016x128xf32, #tpu.memory_space<vmem_shared>>
      tpu.enqueue_indirect_dma source(%arg15 : memref<128x128xf32, #tpu.memory_space<vmem>>) target(%dma_start3A_279 : memref<10016x128xf32, #tpu.memory_space<vmem_shared>>) offsets(%dma_start3A_276 : memref<128xi32, #tpu.memory_space<vmem>>) semaphore(%arg28 : memref<!tpu.dma_semaphore, #tpu.memory_space<semaphore_mem>>) {add = true}
      %add3A_280 = arith.constant 6 : i32
      %add3A_281 = arith.addi %mul3A_71, %add3A_280 : i32
      %ge3A_282 = arith.constant 1 : i32
      %ge3A_283 = arith.cmpi sge, %add3A_281, %ge3A_282 : i32
      %convert_element_type3A_284 = arith.extui %ge3A_283 : i1 to i32
      %cond3A_285 = arith.constant 0 : i32
      %cond3A_286 = arith.cmpi ne, %convert_element_type3A_284, %cond3A_285 : i32
      scf.if %cond3A_286 {
        %dma_wait3A_350 = arith.constant 1 : i32
        %dma_wait3A_351 = arith.constant 0 : i32
        %dma_wait3A_352 = tpu.memref_slice %arg11[%dma_wait3A_350, %dma_wait3A_351] : memref<2x128xi32, #tpu.memory_space<vmem>> -> memref<1x128xi32, #tpu.memory_space<vmem>>
        %dma_wait3A_353 = tpu.memref_squeeze %dma_wait3A_352 : memref<1x128xi32, #tpu.memory_space<vmem>> -> memref<128xi32, #tpu.memory_space<vmem>>
        %dma_wait3A_354 = arith.constant 0 : i32
        %dma_wait3A_355 = arith.constant 0 : i32
        %dma_wait3A_356 = tpu.memref_slice %arg16[%dma_wait3A_354, %dma_wait3A_355] : memref<10016x128xf32, #tpu.memory_space<vmem_shared>> -> memref<10016x128xf32, #tpu.memory_space<vmem_shared>>
        tpu.wait_indirect_dma semaphore(%arg28 : memref<!tpu.dma_semaphore, #tpu.memory_space<semaphore_mem>>) src(%arg15 : memref<128x128xf32, #tpu.memory_space<vmem>>) dst(%dma_wait3A_356 : memref<10016x128xf32, #tpu.memory_space<vmem_shared>>)
      } else {
      }
      %add3A_287 = arith.constant 4 : i32
      %add3A_288 = arith.addi %add3A_281, %add3A_287 : i32
      %lt3A_289 = arith.constant 80 : i32
      %lt3A_290 = arith.cmpi slt, %add3A_288, %lt3A_289 : i32
      %convert_element_type3A_291 = arith.extui %lt3A_290 : i1 to i32
      %cond3A_292 = arith.constant 0 : i32
      %cond3A_293 = arith.cmpi ne, %convert_element_type3A_291, %cond3A_292 : i32
      scf.if %cond3A_293 {
        %add3A_350 = arith.constant 4 : i32
        %add3A_351 = arith.addi %add3A_281, %add3A_350 : i32
        %dma_start3A_352 = arith.constant 0 : i32
        %dma_start3A_353 = arith.constant 0 : i32
        %dma_start3A_354 = tpu.memref_slice %arg3[%arg0, %arg1, %add3A_351, %dma_start3A_352, %dma_start3A_353] : memref<2x16x80x2x128xi32, #tpu.memory_space<hbm>> -> memref<1x1x1x2x128xi32, #tpu.memory_space<hbm>>
        %dma_start3A_355 = tpu.memref_squeeze %dma_start3A_354 : memref<1x1x1x2x128xi32, #tpu.memory_space<hbm>> -> memref<2x128xi32, #tpu.memory_space<hbm>>
        %dma_start3A_356 = arith.constant 0 : i32
        %dma_start3A_357 = arith.constant 0 : i32
        %dma_start3A_358 = tpu.memref_slice %arg3[%arg0, %arg1, %add3A_351, %dma_start3A_356, %dma_start3A_357] : memref<2x16x80x2x128xi32, #tpu.memory_space<hbm>> -> memref<1x1x1x2x128xi32, #tpu.memory_space<hbm>>
        %dma_start3A_359 = tpu.memref_squeeze %dma_start3A_358 : memref<1x1x1x2x128xi32, #tpu.memory_space<hbm>> -> memref<2x128xi32, #tpu.memory_space<hbm>>
        tpu.enqueue_dma source(%dma_start3A_359 : memref<2x128xi32, #tpu.memory_space<hbm>>) target(%arg8 : memref<2x128xi32, #tpu.memory_space<vmem>>) target_semaphore(%arg19 : memref<!tpu.dma_semaphore, #tpu.memory_space<semaphore_mem>>)
      } else {
      }
      %add3A_294 = arith.constant 1 : i32
      %add3A_295 = arith.addi %add3A_281, %add3A_294 : i32
      %lt3A_296 = arith.constant 80 : i32
      %lt3A_297 = arith.cmpi slt, %add3A_295, %lt3A_296 : i32
      %convert_element_type3A_298 = arith.extui %lt3A_297 : i1 to i32
      %cond3A_299 = arith.constant 0 : i32
      %cond3A_300 = arith.cmpi ne, %convert_element_type3A_298, %cond3A_299 : i32
      scf.if %cond3A_300 {
        %add3A_350 = arith.constant 1 : i32
        %add3A_351 = arith.addi %add3A_281, %add3A_350 : i32
        %dma_wait3A_352 = arith.constant 0 : i32
        %dma_wait3A_353 = arith.constant 0 : i32
        %dma_wait3A_354 = tpu.memref_slice %arg3[%arg0, %arg1, %add3A_351, %dma_wait3A_352, %dma_wait3A_353] : memref<2x16x80x2x128xi32, #tpu.memory_space<hbm>> -> memref<1x1x1x2x128xi32, #tpu.memory_space<hbm>>
        %dma_wait3A_355 = tpu.memref_squeeze %dma_wait3A_354 : memref<1x1x1x2x128xi32, #tpu.memory_space<hbm>> -> memref<2x128xi32, #tpu.memory_space<hbm>>
        %dma_wait3A_356 = arith.constant 0 : i32
        %dma_wait3A_357 = arith.constant 0 : i32
        %dma_wait3A_358 = tpu.memref_slice %arg3[%arg0, %arg1, %add3A_351, %dma_wait3A_356, %dma_wait3A_357] : memref<2x16x80x2x128xi32, #tpu.memory_space<hbm>> -> memref<1x1x1x2x128xi32, #tpu.memory_space<hbm>>
        %dma_wait3A_359 = tpu.memref_squeeze %dma_wait3A_358 : memref<1x1x1x2x128xi32, #tpu.memory_space<hbm>> -> memref<2x128xi32, #tpu.memory_space<hbm>>
        tpu.wait_dma2 semaphore(%arg24 : memref<!tpu.dma_semaphore, #tpu.memory_space<semaphore_mem>>) src(%dma_wait3A_359 : memref<2x128xi32, #tpu.memory_space<hbm>>) dst(%arg13 : memref<2x128xi32, #tpu.memory_space<vmem>>)
        %dma_start3A_360 = arith.constant 0 : i32
        %dma_start3A_361 = arith.constant 0 : i32
        %dma_start3A_362 = tpu.memref_slice %arg13[%dma_start3A_360, %dma_start3A_361] : memref<2x128xi32, #tpu.memory_space<vmem>> -> memref<1x128xi32, #tpu.memory_space<vmem>>
        %dma_start3A_363 = tpu.memref_squeeze %dma_start3A_362 : memref<1x128xi32, #tpu.memory_space<vmem>> -> memref<128xi32, #tpu.memory_space<vmem>>
        %dma_start3A_364 = arith.constant 0 : i32
        %dma_start3A_365 = arith.constant 0 : i32
        %dma_start3A_366 = tpu.memref_slice %arg2[%dma_start3A_364, %dma_start3A_365] : memref<80000x128xf32, #tpu.memory_space<hbm>> -> memref<80000x128xf32, #tpu.memory_space<hbm>>
        tpu.enqueue_indirect_dma source(%dma_start3A_366 : memref<80000x128xf32, #tpu.memory_space<hbm>>) target(%arg15 : memref<128x128xf32, #tpu.memory_space<vmem>>) offsets(%dma_start3A_363 : memref<128xi32, #tpu.memory_space<vmem>>) semaphore(%arg26 : memref<!tpu.dma_semaphore, #tpu.memory_space<semaphore_mem>>)
      } else {
      }
      %dma_wait3A_301 = arith.constant 0 : i32
      %dma_wait3A_302 = arith.constant 0 : i32
      %dma_wait3A_303 = tpu.memref_slice %arg12[%dma_wait3A_301, %dma_wait3A_302] : memref<2x128xi32, #tpu.memory_space<vmem>> -> memref<1x128xi32, #tpu.memory_space<vmem>>
      %dma_wait3A_304 = tpu.memref_squeeze %dma_wait3A_303 : memref<1x128xi32, #tpu.memory_space<vmem>> -> memref<128xi32, #tpu.memory_space<vmem>>
      %dma_wait3A_305 = arith.constant 0 : i32
      %dma_wait3A_306 = arith.constant 0 : i32
      %dma_wait3A_307 = tpu.memref_slice %arg2[%dma_wait3A_305, %dma_wait3A_306] : memref<80000x128xf32, #tpu.memory_space<hbm>> -> memref<80000x128xf32, #tpu.memory_space<hbm>>
      tpu.wait_indirect_dma semaphore(%arg25 : memref<!tpu.dma_semaphore, #tpu.memory_space<semaphore_mem>>) src(%dma_wait3A_307 : memref<80000x128xf32, #tpu.memory_space<hbm>>) dst(%arg14 : memref<128x128xf32, #tpu.memory_space<vmem>>)
      %dma_start3A_308 = arith.constant 1 : i32
      %dma_start3A_309 = arith.constant 0 : i32
      %dma_start3A_310 = tpu.memref_slice %arg12[%dma_start3A_308, %dma_start3A_309] : memref<2x128xi32, #tpu.memory_space<vmem>> -> memref<1x128xi32, #tpu.memory_space<vmem>>
      %dma_start3A_311 = tpu.memref_squeeze %dma_start3A_310 : memref<1x128xi32, #tpu.memory_space<vmem>> -> memref<128xi32, #tpu.memory_space<vmem>>
      %dma_start3A_312 = arith.constant 0 : i32
      %dma_start3A_313 = arith.constant 0 : i32
      %dma_start3A_314 = tpu.memref_slice %arg16[%dma_start3A_312, %dma_start3A_313] : memref<10016x128xf32, #tpu.memory_space<vmem_shared>> -> memref<10016x128xf32, #tpu.memory_space<vmem_shared>>
      tpu.enqueue_indirect_dma source(%arg14 : memref<128x128xf32, #tpu.memory_space<vmem>>) target(%dma_start3A_314 : memref<10016x128xf32, #tpu.memory_space<vmem_shared>>) offsets(%dma_start3A_311 : memref<128xi32, #tpu.memory_space<vmem>>) semaphore(%arg27 : memref<!tpu.dma_semaphore, #tpu.memory_space<semaphore_mem>>) {add = true}
      %add3A_315 = arith.constant 7 : i32
      %add3A_316 = arith.addi %mul3A_71, %add3A_315 : i32
      %ge3A_317 = arith.constant 1 : i32
      %ge3A_318 = arith.cmpi sge, %add3A_316, %ge3A_317 : i32
      %convert_element_type3A_319 = arith.extui %ge3A_318 : i1 to i32
      %cond3A_320 = arith.constant 0 : i32
      %cond3A_321 = arith.cmpi ne, %convert_element_type3A_319, %cond3A_320 : i32
      scf.if %cond3A_321 {
        %dma_wait3A_350 = arith.constant 1 : i32
        %dma_wait3A_351 = arith.constant 0 : i32
        %dma_wait3A_352 = tpu.memref_slice %arg12[%dma_wait3A_350, %dma_wait3A_351] : memref<2x128xi32, #tpu.memory_space<vmem>> -> memref<1x128xi32, #tpu.memory_space<vmem>>
        %dma_wait3A_353 = tpu.memref_squeeze %dma_wait3A_352 : memref<1x128xi32, #tpu.memory_space<vmem>> -> memref<128xi32, #tpu.memory_space<vmem>>
        %dma_wait3A_354 = arith.constant 0 : i32
        %dma_wait3A_355 = arith.constant 0 : i32
        %dma_wait3A_356 = tpu.memref_slice %arg16[%dma_wait3A_354, %dma_wait3A_355] : memref<10016x128xf32, #tpu.memory_space<vmem_shared>> -> memref<10016x128xf32, #tpu.memory_space<vmem_shared>>
        tpu.wait_indirect_dma semaphore(%arg27 : memref<!tpu.dma_semaphore, #tpu.memory_space<semaphore_mem>>) src(%arg14 : memref<128x128xf32, #tpu.memory_space<vmem>>) dst(%dma_wait3A_356 : memref<10016x128xf32, #tpu.memory_space<vmem_shared>>)
      } else {
      }
      %add3A_322 = arith.constant 4 : i32
      %add3A_323 = arith.addi %add3A_316, %add3A_322 : i32
      %lt3A_324 = arith.constant 80 : i32
      %lt3A_325 = arith.cmpi slt, %add3A_323, %lt3A_324 : i32
      %convert_element_type3A_326 = arith.extui %lt3A_325 : i1 to i32
      %cond3A_327 = arith.constant 0 : i32
      %cond3A_328 = arith.cmpi ne, %convert_element_type3A_326, %cond3A_327 : i32
      scf.if %cond3A_328 {
        %add3A_350 = arith.constant 4 : i32
        %add3A_351 = arith.addi %add3A_316, %add3A_350 : i32
        %dma_start3A_352 = arith.constant 0 : i32
        %dma_start3A_353 = arith.constant 0 : i32
        %dma_start3A_354 = tpu.memref_slice %arg3[%arg0, %arg1, %add3A_351, %dma_start3A_352, %dma_start3A_353] : memref<2x16x80x2x128xi32, #tpu.memory_space<hbm>> -> memref<1x1x1x2x128xi32, #tpu.memory_space<hbm>>
        %dma_start3A_355 = tpu.memref_squeeze %dma_start3A_354 : memref<1x1x1x2x128xi32, #tpu.memory_space<hbm>> -> memref<2x128xi32, #tpu.memory_space<hbm>>
        %dma_start3A_356 = arith.constant 0 : i32
        %dma_start3A_357 = arith.constant 0 : i32
        %dma_start3A_358 = tpu.memref_slice %arg3[%arg0, %arg1, %add3A_351, %dma_start3A_356, %dma_start3A_357] : memref<2x16x80x2x128xi32, #tpu.memory_space<hbm>> -> memref<1x1x1x2x128xi32, #tpu.memory_space<hbm>>
        %dma_start3A_359 = tpu.memref_squeeze %dma_start3A_358 : memref<1x1x1x2x128xi32, #tpu.memory_space<hbm>> -> memref<2x128xi32, #tpu.memory_space<hbm>>
        tpu.enqueue_dma source(%dma_start3A_359 : memref<2x128xi32, #tpu.memory_space<hbm>>) target(%arg9 : memref<2x128xi32, #tpu.memory_space<vmem>>) target_semaphore(%arg20 : memref<!tpu.dma_semaphore, #tpu.memory_space<semaphore_mem>>)
      } else {
      }
      %add3A_329 = arith.constant 1 : i32
      %add3A_330 = arith.addi %add3A_316, %add3A_329 : i32
      %lt3A_331 = arith.constant 80 : i32
      %lt3A_332 = arith.cmpi slt, %add3A_330, %lt3A_331 : i32
      %convert_element_type3A_333 = arith.extui %lt3A_332 : i1 to i32
      %cond3A_334 = arith.constant 0 : i32
      %cond3A_335 = arith.cmpi ne, %convert_element_type3A_333, %cond3A_334 : i32
      scf.if %cond3A_335 {
        %add3A_350 = arith.constant 1 : i32
        %add3A_351 = arith.addi %add3A_316, %add3A_350 : i32
        %dma_wait3A_352 = arith.constant 0 : i32
        %dma_wait3A_353 = arith.constant 0 : i32
        %dma_wait3A_354 = tpu.memref_slice %arg3[%arg0, %arg1, %add3A_351, %dma_wait3A_352, %dma_wait3A_353] : memref<2x16x80x2x128xi32, #tpu.memory_space<hbm>> -> memref<1x1x1x2x128xi32, #tpu.memory_space<hbm>>
        %dma_wait3A_355 = tpu.memref_squeeze %dma_wait3A_354 : memref<1x1x1x2x128xi32, #tpu.memory_space<hbm>> -> memref<2x128xi32, #tpu.memory_space<hbm>>
        %dma_wait3A_356 = arith.constant 0 : i32
        %dma_wait3A_357 = arith.constant 0 : i32
        %dma_wait3A_358 = tpu.memref_slice %arg3[%arg0, %arg1, %add3A_351, %dma_wait3A_356, %dma_wait3A_357] : memref<2x16x80x2x128xi32, #tpu.memory_space<hbm>> -> memref<1x1x1x2x128xi32, #tpu.memory_space<hbm>>
        %dma_wait3A_359 = tpu.memref_squeeze %dma_wait3A_358 : memref<1x1x1x2x128xi32, #tpu.memory_space<hbm>> -> memref<2x128xi32, #tpu.memory_space<hbm>>
        tpu.wait_dma2 semaphore(%arg17 : memref<!tpu.dma_semaphore, #tpu.memory_space<semaphore_mem>>) src(%dma_wait3A_359 : memref<2x128xi32, #tpu.memory_space<hbm>>) dst(%arg6 : memref<2x128xi32, #tpu.memory_space<vmem>>)
        %dma_start3A_360 = arith.constant 0 : i32
        %dma_start3A_361 = arith.constant 0 : i32
        %dma_start3A_362 = tpu.memref_slice %arg6[%dma_start3A_360, %dma_start3A_361] : memref<2x128xi32, #tpu.memory_space<vmem>> -> memref<1x128xi32, #tpu.memory_space<vmem>>
        %dma_start3A_363 = tpu.memref_squeeze %dma_start3A_362 : memref<1x128xi32, #tpu.memory_space<vmem>> -> memref<128xi32, #tpu.memory_space<vmem>>
        %dma_start3A_364 = arith.constant 0 : i32
        %dma_start3A_365 = arith.constant 0 : i32
        %dma_start3A_366 = tpu.memref_slice %arg2[%dma_start3A_364, %dma_start3A_365] : memref<80000x128xf32, #tpu.memory_space<hbm>> -> memref<80000x128xf32, #tpu.memory_space<hbm>>
        tpu.enqueue_indirect_dma source(%dma_start3A_366 : memref<80000x128xf32, #tpu.memory_space<hbm>>) target(%arg14 : memref<128x128xf32, #tpu.memory_space<vmem>>) offsets(%dma_start3A_363 : memref<128xi32, #tpu.memory_space<vmem>>) semaphore(%arg25 : memref<!tpu.dma_semaphore, #tpu.memory_space<semaphore_mem>>)
      } else {
      }
      %dma_wait3A_336 = arith.constant 0 : i32
      %dma_wait3A_337 = arith.constant 0 : i32
      %dma_wait3A_338 = tpu.memref_slice %arg13[%dma_wait3A_336, %dma_wait3A_337] : memref<2x128xi32, #tpu.memory_space<vmem>> -> memref<1x128xi32, #tpu.memory_space<vmem>>
      %dma_wait3A_339 = tpu.memref_squeeze %dma_wait3A_338 : memref<1x128xi32, #tpu.memory_space<vmem>> -> memref<128xi32, #tpu.memory_space<vmem>>
      %dma_wait3A_340 = arith.constant 0 : i32
      %dma_wait3A_341 = arith.constant 0 : i32
      %dma_wait3A_342 = tpu.memref_slice %arg2[%dma_wait3A_340, %dma_wait3A_341] : memref<80000x128xf32, #tpu.memory_space<hbm>> -> memref<80000x128xf32, #tpu.memory_space<hbm>>
      tpu.wait_indirect_dma semaphore(%arg26 : memref<!tpu.dma_semaphore, #tpu.memory_space<semaphore_mem>>) src(%dma_wait3A_342 : memref<80000x128xf32, #tpu.memory_space<hbm>>) dst(%arg15 : memref<128x128xf32, #tpu.memory_space<vmem>>)
      %dma_start3A_343 = arith.constant 1 : i32
      %dma_start3A_344 = arith.constant 0 : i32
      %dma_start3A_345 = tpu.memref_slice %arg13[%dma_start3A_343, %dma_start3A_344] : memref<2x128xi32, #tpu.memory_space<vmem>> -> memref<1x128xi32, #tpu.memory_space<vmem>>
      %dma_start3A_346 = tpu.memref_squeeze %dma_start3A_345 : memref<1x128xi32, #tpu.memory_space<vmem>> -> memref<128xi32, #tpu.memory_space<vmem>>
      %dma_start3A_347 = arith.constant 0 : i32
      %dma_start3A_348 = arith.constant 0 : i32
      %dma_start3A_349 = tpu.memref_slice %arg16[%dma_start3A_347, %dma_start3A_348] : memref<10016x128xf32, #tpu.memory_space<vmem_shared>> -> memref<10016x128xf32, #tpu.memory_space<vmem_shared>>
      tpu.enqueue_indirect_dma source(%arg15 : memref<128x128xf32, #tpu.memory_space<vmem>>) target(%dma_start3A_349 : memref<10016x128xf32, #tpu.memory_space<vmem_shared>>) offsets(%dma_start3A_346 : memref<128xi32, #tpu.memory_space<vmem>>) semaphore(%arg28 : memref<!tpu.dma_semaphore, #tpu.memory_space<semaphore_mem>>) {add = true}
    }
    %scan3A_56 = arith.constant 10 : i32
    %dma_wait3A_57 = arith.constant 1 : i32
    %dma_wait3A_58 = arith.constant 0 : i32
    %dma_wait3A_59 = tpu.memref_slice %arg13[%dma_wait3A_57, %dma_wait3A_58] : memref<2x128xi32, #tpu.memory_space<vmem>> -> memref<1x128xi32, #tpu.memory_space<vmem>>
    %dma_wait3A_60 = tpu.memref_squeeze %dma_wait3A_59 : memref<1x128xi32, #tpu.memory_space<vmem>> -> memref<128xi32, #tpu.memory_space<vmem>>
    %dma_wait3A_61 = arith.constant 0 : i32
    %dma_wait3A_62 = arith.constant 0 : i32
    %dma_wait3A_63 = tpu.memref_slice %arg16[%dma_wait3A_61, %dma_wait3A_62] : memref<10016x128xf32, #tpu.memory_space<vmem_shared>> -> memref<10016x128xf32, #tpu.memory_space<vmem_shared>>
    tpu.wait_indirect_dma semaphore(%arg28 : memref<!tpu.dma_semaphore, #tpu.memory_space<semaphore_mem>>) src(%arg15 : memref<128x128xf32, #tpu.memory_space<vmem>>) dst(%dma_wait3A_63 : memref<10016x128xf32, #tpu.memory_space<vmem_shared>>)
    %barrier3A_64 = arith.constant 0 : index
    tpu.barrier barrier_id(%barrier3A_64)
    %lt3A_65 = arith.constant 4 : i32
    %lt3A_66 = arith.cmpi slt, %arg1, %lt3A_65 : i32
    %convert_element_type3A_67 = arith.extui %lt3A_66 : i1 to i32
    %cond3A_68 = arith.constant 0 : i32
    %cond3A_69 = arith.cmpi ne, %convert_element_type3A_67, %cond3A_68 : i32
    scf.if %cond3A_69 {
      %mul3A = arith.constant 2504 : i32
      %mul3A_70 = arith.muli %arg1, %mul3A : i32
      %mul3A_71 = arith.constant 2504 : i32
      %mul3A_72 = arith.muli %arg1, %mul3A_71 : i32
      "tpu.region"() ({
        %run_scoped3A = tpu.sem_alloc : memref<!tpu.dma_semaphore, #tpu.memory_space<semaphore_mem>>
        %dma_start3A_73 = arith.constant 0 : i32
        %dma_start3A_74 = tpu.memref_slice %arg5[%arg0, %mul3A_72, %dma_start3A_73] : memref<2x10016x128xf32, #tpu.memory_space<hbm>> -> memref<1x2504x128xf32, #tpu.memory_space<hbm>>
        %dma_start3A_75 = tpu.memref_squeeze %dma_start3A_74 : memref<1x2504x128xf32, #tpu.memory_space<hbm>> -> memref<2504x128xf32, #tpu.memory_space<hbm>>
        %dma_start3A_76 = arith.constant 0 : i32
        %dma_start3A_77 = tpu.memref_slice %arg16[%mul3A_70, %dma_start3A_76] : memref<10016x128xf32, #tpu.memory_space<vmem_shared>> -> memref<2504x128xf32, #tpu.memory_space<vmem_shared>>
        tpu.enqueue_dma source(%dma_start3A_77 : memref<2504x128xf32, #tpu.memory_space<vmem_shared>>) target(%dma_start3A_75 : memref<2504x128xf32, #tpu.memory_space<hbm>>) target_semaphore(%run_scoped3A : memref<!tpu.dma_semaphore, #tpu.memory_space<semaphore_mem>>)
        %dma_wait3A_78 = arith.constant 0 : i32
        %dma_wait3A_79 = tpu.memref_slice %arg5[%arg0, %mul3A_72, %dma_wait3A_78] : memref<2x10016x128xf32, #tpu.memory_space<hbm>> -> memref<1x2504x128xf32, #tpu.memory_space<hbm>>
        %dma_wait3A_80 = tpu.memref_squeeze %dma_wait3A_79 : memref<1x2504x128xf32, #tpu.memory_space<hbm>> -> memref<2504x128xf32, #tpu.memory_space<hbm>>
        %dma_wait3A_81 = arith.constant 0 : i32
        %dma_wait3A_82 = tpu.memref_slice %arg16[%mul3A_70, %dma_wait3A_81] : memref<10016x128xf32, #tpu.memory_space<vmem_shared>> -> memref<2504x128xf32, #tpu.memory_space<vmem_shared>>
        tpu.wait_dma2 semaphore(%run_scoped3A : memref<!tpu.dma_semaphore, #tpu.memory_space<semaphore_mem>>) src(%dma_wait3A_82 : memref<2504x128xf32, #tpu.memory_space<vmem_shared>>) dst(%dma_wait3A_80 : memref<2504x128xf32, #tpu.memory_space<hbm>>)
        tpu.yield
      }) : () -> ()
    } else {
    }
    return
  }
}

module attributes {stable_mosaic.version = 14 : i64} {
  func.func @_xt_body(%arg0: i32, %arg1: i32, %arg2: memref<2000x256xf32, #tpu.memory_space<vmem>>, %arg3: memref<8x256x256xf32, #tpu.memory_space<vmem>>, %arg4: memref<1x1x8xf32, #tpu.memory_space<vmem>>, %arg5: memref<2x1x2000x128xf32, #tpu.memory_space<vmem>>) attributes {dimension_semantics = [#tpu.dimension_semantics<arbitrary>, #tpu.dimension_semantics<arbitrary>], iteration_bounds = array<i64: 4, 5>, scalar_prefetch = 0 : i64, scratch_operands = 0 : i64, tpu.core_type = #tpu.core_type<tc>, window_params = [{transform_indices = @transform_0, window_bounds = array<i64: 2000, 256>}, {pipeline_mode = #tpu.pipeline_mode<synchronous>, transform_indices = @transform_1, window_bounds = array<i64: 8, 256, 256>}, {transform_indices = @transform_2, window_bounds = array<i64: 1, 1, 8>}, {transform_indices = @transform_3, window_bounds = array<i64: 2, 1, 2000, 128>}]} {
    %get3A = arith.constant 0 : index
    %get3A_0 = arith.constant 0 : index
    %get3A_1 = arith.constant 0 : index
    %get3A_2 = vector.load %arg4[%get3A, %get3A_0, %get3A_1] : memref<1x1x8xf32, #tpu.memory_space<vmem>>, vector<1x1x8xf32>
    %get3A_3 = vector.shape_cast %get3A_2 : vector<1x1x8xf32> to vector<8xf32>
    %get3A_4 = arith.constant 0 : index
    %get3A_5 = arith.constant 0 : index
    %get3A_6 = arith.constant 0 : index
    %get3A_7 = vector.load %arg3[%get3A_4, %get3A_5, %get3A_6] : memref<8x256x256xf32, #tpu.memory_space<vmem>>, vector<8x256x256xf32>
    "tpu.trace_start"() <{level = 10 : i32, message = "b,bio->io"}> : () -> ()
    %dot_general3A = arith.constant dense<0.000000e+00> : vector<256x256xf32>
    %dot_general3A_8 = tpu.matmul %get3A_3, %get3A_7, %dot_general3A {dimension_numbers = #tpu.dot_dimension_numbers<[0], [0], [], [1, 2], [1, 1, 1, 2], [], []>, transpose_lhs_hint = false} : vector<8xf32>, vector<8x256x256xf32>, vector<256x256xf32> -> vector<256x256xf32>
    "tpu.trace_stop"() : () -> ()
    %get3A_9 = arith.constant 0 : index
    %get3A_10 = arith.constant 0 : index
    %get3A_11 = vector.load %arg2[%get3A_9, %get3A_10] : memref<2000x256xf32, #tpu.memory_space<vmem>>, vector<2000x256xf32>
    %dot_general3A_12 = arith.constant dense<0.000000e+00> : vector<2000x256xf32>
    %dot_general3A_13 = tpu.matmul %get3A_11, %dot_general3A_8, %dot_general3A_12 {dimension_numbers = #tpu.dot_dimension_numbers<[1], [0], [0], [1], [0, 0, 1, 1], [], []>, transpose_lhs_hint = false} : vector<2000x256xf32>, vector<256x256xf32>, vector<2000x256xf32> -> vector<2000x256xf32>
    %slice3A = vector.extract_strided_slice %dot_general3A_13 {offsets = [0, 0], sizes = [2000, 128], strides = [1, 1]} : vector<2000x256xf32> to vector<2000x128xf32>
    %swap3A = arith.constant 0 : index
    %swap3A_14 = arith.constant 0 : index
    %swap3A_15 = arith.constant 0 : index
    %swap3A_16 = arith.constant 0 : index
    %swap3A_17 = vector.load %arg5[%swap3A, %swap3A_14, %swap3A_15, %swap3A_16] : memref<2x1x2000x128xf32, #tpu.memory_space<vmem>>, vector<1x1x2000x128xf32>
    %swap3A_18 = vector.shape_cast %swap3A_17 : vector<1x1x2000x128xf32> to vector<2000x128xf32>
    %swap3A_19 = vector.shape_cast %slice3A : vector<2000x128xf32> to vector<1x1x2000x128xf32>
    tpu.vector_store %arg5[%swap3A, %swap3A_14, %swap3A_15, %swap3A_16], %swap3A_19 {strides = array<i32>} : memref<2x1x2000x128xf32, #tpu.memory_space<vmem>>, vector<1x1x2000x128xf32>,
    %slice3A_20 = vector.extract_strided_slice %dot_general3A_13 {offsets = [0, 128], sizes = [2000, 128], strides = [1, 1]} : vector<2000x256xf32> to vector<2000x128xf32>
    %swap3A_21 = arith.constant 1 : index
    %swap3A_22 = arith.constant 0 : index
    %swap3A_23 = arith.constant 0 : index
    %swap3A_24 = arith.constant 0 : index
    %swap3A_25 = vector.load %arg5[%swap3A_21, %swap3A_22, %swap3A_23, %swap3A_24] : memref<2x1x2000x128xf32, #tpu.memory_space<vmem>>, vector<1x1x2000x128xf32>
    %swap3A_26 = vector.shape_cast %swap3A_25 : vector<1x1x2000x128xf32> to vector<2000x128xf32>
    %swap3A_27 = vector.shape_cast %slice3A_20 : vector<2000x128xf32> to vector<1x1x2000x128xf32>
    tpu.vector_store %arg5[%swap3A_21, %swap3A_22, %swap3A_23, %swap3A_24], %swap3A_27 {strides = array<i32>} : memref<2x1x2000x128xf32, #tpu.memory_space<vmem>>, vector<1x1x2000x128xf32>,
    return
  }
  func.func @transform_0(%arg0: i32, %arg1: i32) -> (i32, i32) {
    %c0_i32 = arith.constant 0 : i32
    %c0_i32_0 = arith.constant 0 : i32
    return %arg1, %c0_i32 : i32, i32
  }
  func.func @transform_1(%arg0: i32, %arg1: i32) -> (i32, i32, i32) {
    %c0_i32 = arith.constant 0 : i32
    %c0_i32_0 = arith.constant 0 : i32
    %c0_i32_1 = arith.constant 0 : i32
    %c0_i32_2 = arith.constant 0 : i32
    return %c0_i32, %c0_i32_0, %c0_i32_1 : i32, i32, i32
  }
  func.func @transform_2(%arg0: i32, %arg1: i32) -> (i32, i32, i32) {
    %c0_i32 = arith.constant 0 : i32
    %c0_i32_0 = arith.constant 0 : i32
    %c0_i32_1 = arith.constant 0 : i32
    return %arg0, %c0_i32, %c0_i32_0 : i32, i32, i32
  }
  func.func @transform_3(%arg0: i32, %arg1: i32) -> (i32, i32, i32, i32) {
    %c0_i32 = arith.constant 0 : i32
    %c0_i32_0 = arith.constant 0 : i32
    %c0_i32_1 = arith.constant 0 : i32
    return %c0_i32, %arg0, %arg1, %c0_i32_0 : i32, i32, i32, i32
  }
}

module attributes {stable_mosaic.version = 14 : i64} {
  func.func @_final_body(%arg0: i32, %arg1: memref<2000x256xf32, #tpu.memory_space<vmem>>, %arg2: memref<256x256xf32, #tpu.memory_space<vmem>>, %arg3: memref<2x2000x128xf32, #tpu.memory_space<vmem>>, %arg4: memref<1x256xf32, #tpu.memory_space<vmem>>, %arg5: memref<2000x256xf32, #tpu.memory_space<vmem>>) attributes {dimension_semantics = [#tpu.dimension_semantics<arbitrary>], iteration_bounds = array<i64: 5>, scalar_prefetch = 0 : i64, scratch_operands = 0 : i64, tpu.core_type = #tpu.core_type<tc>, window_params = [{transform_indices = @transform_0, window_bounds = array<i64: 2000, 256>}, {pipeline_mode = #tpu.pipeline_mode<synchronous>, transform_indices = @transform_1, window_bounds = array<i64: 256, 256>}, {transform_indices = @transform_2, window_bounds = array<i64: 2, 2000, 128>}, {pipeline_mode = #tpu.pipeline_mode<synchronous>, transform_indices = @transform_3, window_bounds = array<i64: 1, 256>}, {transform_indices = @transform_4, window_bounds = array<i64: 2000, 256>}]} {
    %get3A = arith.constant 0 : index
    %get3A_0 = arith.constant 0 : index
    %get3A_1 = vector.load %arg1[%get3A, %get3A_0] : memref<2000x256xf32, #tpu.memory_space<vmem>>, vector<2000x256xf32>
    %get3A_2 = arith.constant 0 : index
    %get3A_3 = arith.constant 0 : index
    %get3A_4 = vector.load %arg2[%get3A_2, %get3A_3] : memref<256x256xf32, #tpu.memory_space<vmem>>, vector<256x256xf32>
    %dot_general3A = arith.constant dense<0.000000e+00> : vector<2000x256xf32>
    %dot_general3A_5 = tpu.matmul %get3A_1, %get3A_4, %dot_general3A {dimension_numbers = #tpu.dot_dimension_numbers<[1], [0], [0], [1], [0, 0, 1, 1], [], []>, transpose_lhs_hint = false} : vector<2000x256xf32>, vector<256x256xf32>, vector<2000x256xf32> -> vector<2000x256xf32>
    %get3A_6 = arith.constant 0 : index
    %get3A_7 = arith.constant 0 : index
    %get3A_8 = arith.constant 0 : index
    %get3A_9 = vector.load %arg3[%get3A_6, %get3A_7, %get3A_8] : memref<2x2000x128xf32, #tpu.memory_space<vmem>>, vector<1x2000x128xf32>
    %get3A_10 = vector.shape_cast %get3A_9 : vector<1x2000x128xf32> to vector<2000x128xf32>
    %get3A_11 = arith.constant 1 : index
    %get3A_12 = arith.constant 0 : index
    %get3A_13 = arith.constant 0 : index
    %get3A_14 = vector.load %arg3[%get3A_11, %get3A_12, %get3A_13] : memref<2x2000x128xf32, #tpu.memory_space<vmem>>, vector<1x2000x128xf32>
    %get3A_15 = vector.shape_cast %get3A_14 : vector<1x2000x128xf32> to vector<2000x128xf32>
    %concatenate3A = tpu.concatenate %get3A_10, %get3A_15 in 1 : vector<2000x128xf32>, vector<2000x128xf32> -> vector<2000x256xf32>
    %add3A = arith.addf %dot_general3A_5, %concatenate3A : vector<2000x256xf32>
    %get3A_16 = arith.constant 0 : index
    %get3A_17 = arith.constant 0 : index
    %get3A_18 = vector.load %arg4[%get3A_16, %get3A_17] : memref<1x256xf32, #tpu.memory_space<vmem>>, vector<1x256xf32>
    %add3A_19 = vector.broadcast %get3A_18 : vector<1x256xf32> to vector<2000x256xf32>
    %add3A_20 = arith.addf %add3A, %add3A_19 : vector<2000x256xf32>
    %max3A = arith.constant 0.000000e+00 : f32
    %max3A_21 = vector.broadcast %max3A : f32 to vector<2000x256xf32>
    %max3A_22 = arith.maximumf %add3A_20, %max3A_21 : vector<2000x256xf32>
    %swap3A = arith.constant 0 : index
    %swap3A_23 = arith.constant 0 : index
    %swap3A_24 = vector.load %arg5[%swap3A, %swap3A_23] : memref<2000x256xf32, #tpu.memory_space<vmem>>, vector<2000x256xf32>
    tpu.vector_store %arg5[%swap3A, %swap3A_23], %max3A_22 {strides = array<i32>} : memref<2000x256xf32, #tpu.memory_space<vmem>>, vector<2000x256xf32>,
    return
  }
  func.func @transform_0(%arg0: i32) -> (i32, i32) {
    %c0_i32 = arith.constant 0 : i32
    %c0_i32_0 = arith.constant 0 : i32
    return %arg0, %c0_i32 : i32, i32
  }
  func.func @transform_1(%arg0: i32) -> (i32, i32) {
    %c0_i32 = arith.constant 0 : i32
    %c0_i32_0 = arith.constant 0 : i32
    %c0_i32_1 = arith.constant 0 : i32
    return %c0_i32, %c0_i32_0 : i32, i32
  }
  func.func @transform_2(%arg0: i32) -> (i32, i32, i32) {
    %c0_i32 = arith.constant 0 : i32
    %c0_i32_0 = arith.constant 0 : i32
    %c0_i32_1 = arith.constant 0 : i32
    return %c0_i32, %arg0, %c0_i32_0 : i32, i32, i32
  }
  func.func @transform_3(%arg0: i32) -> (i32, i32) {
    %c0_i32 = arith.constant 0 : i32
    %c0_i32_0 = arith.constant 0 : i32
    %c0_i32_1 = arith.constant 0 : i32
    return %c0_i32, %c0_i32_0 : i32, i32
  }
  func.func @transform_4(%arg0: i32) -> (i32, i32) {
    %c0_i32 = arith.constant 0 : i32
    %c0_i32_0 = arith.constant 0 : i32
    return %arg0, %c0_i32 : i32, i32
  }
}

</mosaic_0001>

<sc_bundles>
// kernel: kernel.5.cloned.1.call-start
scs
__scs_entry_jumppad:
0x0: {  	(pc) =	sbr.rel $0x88, $3  }
0x1: {  	(tag) =	ssettag $0x0;
	lr =	simm.s32 $0x1  }
0x2: {  	[smem:$0x3F98] =	sst lr;
	_ =	strace $0xD0000000  }
0x3: {  	_ = 	snop  }
0x4: {  	_ = 	snop  }
0x5: {  	_ = 	snop  }
0x6: {  	_ = 	snop  }
0x7: {  	_ = 	snop  }
__scs_overlays_trampoline_lowered:
0x8: {  	[smem:$0x3FA7] =	sst s0  }
0x9: {  	[smem:$0x3FA8] =	sst s1  }
0xa: {  	[smem:$0x3FA9] =	sst s2  }
0xb: {  	[smem:$0x3FAA] =	sst s3  }
0xc: {  	[smem:$0x3FAB] =	sst s4  }
0xd: {  	[smem:$0x3FAC] =	sst s5  }
0xe: {  	[smem:$0x3FAD] =	sst s6  }
0xf: {  	[smem:$0x3FAE] =	sst s7  }
0x10: {  	[smem:$0x3FAF] =	sst s8  }
0x11: {  	[smem:$0x3FB0] =	sst s9;
	s0 =	simm.s32 @!p0 $0x0  }
0x12: {  	s1 =	sld [smem:$0x3F96];
	s0 =	simm.s32 @p0 $0x1  }
0x13: {  	[smem:$0x3FB1] =	sst s0;
	s0 =	simm.s32 @!p1 $0x0  }
0x14: {  	s2 =	sld [smem:$0x3F95];
	s0 =	simm.s32 @p1 $0x1  }
0x15: {  	[smem:$0x3FB2] =	sst s0;
	s0 =	simm.s32 @!p2 $0x0  }
0x16: {  	s3 =	sld [smem:$0x3FDB];
	s0 =	simm.s32 @p2 $0x1  }
0x17: {  	s4 =	simm.s32 $0x1BF5;
	[smem:$0x3FB4] =	sst s0  }
0x18: {  	s0 =	sld [smem:$0x3F97];
	_ =	swait.ge [sflag:s4], $0x0  }
0x19: {  	s7 =	sld [smem:$0x3F98]  }
0x1a: {  	s8 =	sadd.s32 $0xFFFFE003, lr  }
0x1b: {  	s9 =	sadd.s32 $0xFFFFFEF7, lr;
	s5 =	simm.s32 $0xFFFFFFFF;
	p2 =	slt.u32 s8, $0xFFFFF086  }
0x1c: {  	p1 =	slt.u32 s9, $0xF7A;
	s5 =	simm.s32 @!p2 $0x0  }
0x1d: {  	s5 =	simm.s32 @p1 $0x1;
	p0 =	seq.s32 s7, s2  }
0x1e: {  	s7 =	smul.u32 @!p0 $0xF7A, s2;
	p2 =	seq.s32 @!p0 s5, $0x0  }
0x1f: {  	s9 =	smul.u32 $0xF7A, s1;
	s8 =	simm.s32 @!p0 $0x1BF5;
	p2 =	por !p2, p0  }
0x20: {  	[sflag:s8] =	ssyncset.s32 @!p0 $0xFFFFF086;
	s6 =	sadd.s32 @!p0 s3, s7;
	s7 =	simm.s32 @!p0 $0x108  }
0x21: {  	s3 =	sadd.s32 s3, s9;
	s6 =	sadd.s32 @!p0 $0x88, s6;
	s7 =	simm.s32 @p2 $0x1082  }
0x22: {  	[simem:s7], [sflag:s8] =	dma.local @!p0 [hbm:s6], $0xF7A  }
0x23: {  	s9 =	sor.u32 $0xD0000000, s2;
	s6 =	simm.s32 $0x108;
	_ =	swait.ge @!p0 [sflag:s8], $0x0  }
0x24: {  	s3 =	sadd.s32 $0x88, s3;
	s6 =	simm.s32 @!p1 $0x1082;
	[sflag:s4] =	ssyncset.s32 $0xFFFFF086  }
0x25: {  	[simem:s6], [sflag:s4] =	dma.local [hbm:s3], $0xF7A  }
0x26: {  	[smem:$0x3F98] =	sst s1;
	(tag) =	ssettag s2;
	_ =	strace s9  }
0x27: {  	s1 =	sld [smem:$0x3FA8]  }
0x28: {  	s2 =	sld [smem:$0x3FA9]  }
0x29: {  	s4 =	sld [smem:$0x3FAB]  }
0x2a: {  	p0 =	seq.s32 s5, $0x0;
	s5 =	sld [smem:$0x3FAC]  }
0x2b: {  	s6 =	sld [smem:$0x3FAD]  }
0x2c: {  	s7 =	sld [smem:$0x3FAE]  }
0x2d: {  	s3 =	simm.s32 $0x108;
	s8 =	sld [smem:$0x3FAF]  }
0x2e: {  	s3 =	simm.s32 @!p0 $0x1082;
	s9 =	sld [smem:$0x3FB0]  }
0x2f: {  	lr =	sadd.s32 s0, s3;
	s0 =	sld [smem:$0x3FA7]  }
0x30: {  	s3 =	sld [smem:$0x3FAA]  }
0x31: {  	[smem:$0x3FB3] =	sst s10  }
0x32: {  	s10 =	sld [smem:$0x3FB1];
	_ =	sdelay $0x3  }
0x33: {  	p0 =	seq.s32 s10, $0x1;
	s10 =	sld [smem:$0x3FB3];
	_ =	sdelay $0x3  }
0x34: {  	[smem:$0x3FB3] =	sst s10  }
0x35: {  	s10 =	sld [smem:$0x3FB2];
	_ =	sdelay $0x3  }
0x36: {  	p1 =	seq.s32 s10, $0x1;
	s10 =	sld [smem:$0x3FB3];
	_ =	sdelay $0x3  }
0x37: {  	[smem:$0x3FB3] =	sst s10  }
0x38: {  	s10 =	sld [smem:$0x3FB4]  }
0x39: {  	_ = 	snop;
	(pc) =	sbr.ind lr, $3  }
0x3a: {  	_ = 	snop  }
0x3b: {  	_ = 	snop  }
0x3c: {  	p2 =	seq.s32 s10, $0x1;
	s10 =	sld [smem:$0x3FB3]  }
0x3d: {  	_ =	shalt  }
0x3e: {  	_ =	shalt  }
0x3f: {  	_ =	shalt  }
0x40: {  	_ =	shalt  }
0x41: {  	_ =	shalt  }
0x42: {  	_ =	shalt  }
0x43: {  	_ =	shalt  }
0x44: {  	_ =	shalt  }
0x45: {  	_ =	shalt  }
0x46: {  	_ =	shalt  }
0x47: {  	_ =	shalt  }
0x48: {  	_ =	shalt  }
0x49: {  	_ =	shalt  }
0x4a: {  	_ =	shalt  }
0x4b: {  	_ =	shalt  }
0x4c: {  	_ =	shalt  }
0x4d: {  	_ =	shalt  }
0x4e: {  	_ =	shalt  }
0x4f: {  	_ =	shalt  }
0x50: {  	_ =	shalt  }
0x51: {  	_ =	shalt  }
0x52: {  	_ =	shalt  }
0x53: {  	_ =	shalt  }
0x54: {  	_ =	shalt  }
0x55: {  	_ =	shalt  }
0x56: {  	_ =	shalt  }
0x57: {  	_ =	shalt  }
0x58: {  	_ =	shalt  }
0x59: {  	_ =	shalt  }
0x5a: {  	_ =	shalt  }
0x5b: {  	_ =	shalt  }
0x5c: {  	_ =	shalt  }
0x5d: {  	_ =	shalt  }
0x5e: {  	_ =	shalt  }
0x5f: {  	_ =	shalt  }
0x60: {  	_ =	shalt  }
0x61: {  	_ =	shalt  }
0x62: {  	_ =	shalt  }
0x63: {  	_ =	shalt  }
0x64: {  	_ =	shalt  }
0x65: {  	_ =	shalt  }
0x66: {  	_ =	shalt  }
0x67: {  	_ =	shalt  }
0x68: {  	_ =	shalt  }
0x69: {  	_ =	shalt  }
0x6a: {  	_ =	shalt  }
0x6b: {  	_ =	shalt  }
0x6c: {  	_ =	shalt  }
0x6d: {  	_ =	shalt  }
0x6e: {  	_ =	shalt  }
0x6f: {  	_ =	shalt  }
0x70: {  	_ =	shalt  }
0x71: {  	_ =	shalt  }
0x72: {  	_ =	shalt  }
0x73: {  	_ =	shalt  }
0x74: {  	_ =	shalt  }
0x75: {  	_ =	shalt  }
0x76: {  	_ =	shalt  }
0x77: {  	_ =	shalt  }
0x78: {  	_ =	shalt  }
0x79: {  	_ =	shalt  }
0x7a: {  	_ =	shalt  }
0x7b: {  	_ =	shalt  }
0x7c: {  	_ =	shalt  }
0x7d: {  	_ =	shalt  }
0x7e: {  	_ =	shalt  }
0x7f: {  	_ =	shalt  }
0x80: {  	_ =	shalt  }
0x81: {  	_ =	shalt  }
0x82: {  	_ =	shalt  }
0x83: {  	_ =	shalt  }
0x84: {  	_ =	shalt  }
0x85: {  	_ =	shalt  }
0x86: {  	_ =	shalt  }
0x87: {  	_ =	shalt  }
.Lfunc_end0:
.L_simem_size_0:
called_computation_lowered:
.L_overlay_start_0:
0x88: {  	s2 =	sld [smem:$0x3FD9]  }
0x89: {  	s3 =	sld [smem:$0x3FFE];
	_ =	sdelay $0x1  }
0x8a: {  	s1 =	srdreg.scid  }
0x8b: {  	s0 =	sand.u32 $0x1, s1  }
0x8c: {  	s17 =	sshll.u32 s0, $0xA;
	s2 =	sadd.s32 s3, s2  }
0x8d: {  	s2 =	sadd.s32 s2, s17  }
0x8e: {  	[smem:$0x3FBF] =	sst s2  }
0x8f: {  	_ = 	snop  }
0x90: {  	s2 =	sld [smem:$0x3FD0];
	(tm) =	ssettm $0x1  }
0x91: {  	s18 =	sld [smem:$0x3FFB];
	_ =	sdelay $0x3  }
0x92: {  	_ =	strace s18  }
0x93: {  	s3 =	sld [smem:$0x3FFC];
	_ =	sdelay $0x3  }
0x94: {  	_ =	strace s3  }
0x95: {  	s3 =	sld [smem:$0x3FFD];
	_ =	sdelay $0x3  }
0x96: {  	_ =	strace s3  }
0x97: {  	_ =	strace $0x8FFFFFFF  }
0x98: {  	s19 =	sld [smem:$0x3FDB];
	_ =	sdelay $0x1  }
0x99: {  	s4 =	simm.s32 $_scs_section_size  }
0x9a: {  	s5 =	simm.s32 $_size__tile_overlayer_lowered;
	s6 =	simm.s32 $_tile_overlayer_lowered  }
0x9b: {  	s22 =	simm.s32 $0x1BFF;
	s21 =	sshll.u32 s6, $0x1;
	s3 =	sadd.s32 s4, s19  }
0x9c: {  	s7 =	simm.s32 $0x0;
	s20 =	sshll.u32 s5, $0x1;
	s5 =	sadd.s32 s21, s3  }
0x9d: {  	[timem:s7], [sflag:s22] =	dma.local [hbm:s5], s20  }
0x9e: {  	_ =	swait.ge [sflag:s22], s20  }
0x9f: {  	s4 =	ssub.s32 $0x0, s20;
	[sflag:s22] =	ssyncset.done $0x0  }
0xa0: {  	[sflag:s22] =	ssyncadd.s32 s4;
	_ =	sdelay $0x1  }
0xa1: {  	s23 =	simm.s32 $0x1B8B  }
0xa2: {  	_ =	swait.ge [sflag:s23], $0x1  }
0xa3: {  	[sflag:s23] =	ssyncset.done $0x0  }
0xa4: {  	s25 =	simm.s32 $0x1B8E;
	s24 =	sld [smem:$0x3FFE];
	[sflag:s23] =	ssyncadd.s32 $0xFFFFFFFF  }
0xa5: {  	s26 =	simm.s32 $execute0_lowered;
	[smem:$0x3FD2] =	sst s25  }
0xa6: {  	s5 =	sshll.u32 s26, $0x1;
	_ =	strace $0x80000046;
	[dreg:$0x1] =	wrdreg $0xFFFFFFFF  }
0xa7: {  	s28 =	simm.s32 $_size_execute0_lowered;
	s3 =	sadd.s32 s3, s5;
	[dreg:$0x0] =	wrdreg $0x0  }
0xa8: {  	s5 =	sshll.u32 s28, $0x1;
	[dreg:$0x2] =	wrdreg s3  }
0xa9: {  	[dreg:$0x3] =	wrdreg s5  }
0xaa: {  	[dreg:$0x4] =	wrdreg $0xC0  }
0xab: {  	_ =	task [dreg:s7], $0x5FFFF  }
0xac: {  	[dreg:$0x1] =	wrdreg $0xFFFFFFFF  }
0xad: {  	[dreg:$0x0] =	wrdreg $0x60  }
0xae: {  	[dreg:$0x2] =	wrdreg s24  }
0xaf: {  	[dreg:$0x3] =	wrdreg s2  }
0xb0: {  	[dreg:$0x4] =	wrdreg $0x88000  }
0xb1: {  	[dreg:$0x5] =	wrdreg $0x9  }
0xb2: {  	_ =	task.clear_ibuf [dreg:s7], $0x6FFFF;
	_ =	strace $0x90000046  }
0xb3: {  	s29 =	simm.s32 $0x9;
	_ =	strace $0x80000048  }
0xb4: {  	_ =	swait.ge [sflag:s29], $0x1  }
0xb5: {  	[sflag:s29] =	ssyncadd.s32 $0xFFFFFFFF  }
0xb6: {  	_ =	strace $0x90000048  }
0xb7: {  	_ =	sfence  }
0xb8: {  	s30 =	sld [smem:$0x0];
	_ =	sdelay $0x2  }
0xb9: {  	s31 =	sshll.u32 s1, $0xD;
	s1 =	sshrl.u32 s1, $0x2  }
0xba: {  	s3 =	sand.u32 $0x4000, s31;
	s1 =	sadd.s32 s1, s30  }
0xbb: {  	s0 =	sor.u32 s3, s0;
	s1 =	sshll.u32 s1, $0x11  }
0xbc: {  	s0 =	sor.u32 s1, s0  }
0xbd: {  	s0 =	sadd.s32 $0x8F2B, s0  }
0xbe: {  	[sflag:s0] =	ssyncadd.remote.s32 $0x1  }
0xbf: {  	_ =	sfence.sel $0xFFFF  }
0xc0: {  	[dreg:$0x0] =	wrdreg $0xFFFFFFFF;
	(pc) =	sbr.abs _section_cstart, $3  }
0xc1: {  	[dreg:$0x1] =	wrdreg $0xFFFFFFFF  }
0xc2: {  	_ =	task.clear_ibuf [dreg:s7], $0x2FFFF;
	_ =	strace $0x9FFFFFFF  }
0xc3: {  	(tm) =	ssettm $0x7FFFFFFF  }
tec
execute0_lowered:
.L_overlay_start_1:
0x0: {  	(tag) =	ssettag $0x1  }
0x1: {  	s0 =	rddreg [dreg:$0x0]  }
0x2: {  	s1 =	rddreg [dreg:$0x1]  }
0x3: {  	s2 =	srdreg.scid;
	s10 =	stileid.u32  }
0x4: {  	s3 =	rddreg [dreg:$0x2];
	s4 =	simm.s32 $0x0;
	s6 =	smul.u32 $0x4E400, s10  }
0x5: {  	s28 =	simm.s32 $0xA;
	s29 =	simm.s32 $0xC;
	s16 =	smul.u32 $0x5000, s10  }
0x6: {  	s30 =	simm.s32 $0x600;
	s2 =	sand.u32 $0x1, s2;
	s17 =	smul.u32 $0x139000, s10  }
0x7: {  	s31 =	simm.s32 $0x4;
	[smem:$0x7FF] =	sst s4;
	s5 =	smul.u32 $0x139000, s2  }
0x8: {  	s8 =	sadd.s32 $0x138800, s0;
	p0 =	sgt.u32 s10, $0x3;
	s7 =	smul.u32 $0x50000, s2  }
0x9: {  	_ =	strace $0x80000047;
	[dreg:$0x13] =	wrdreg s8;
	s2 =	ssub.s32 $0x2, s2  }
0xa: {  	s18 =	sshrl.u32 s2, $0x1;
	s8 =	sshrl.u32 s17, $0x2;
	s5 =	sadd.s32 s6, s5  }
0xb: {  	s6 =	sadd.s32 s16, s7;
	s2 =	ssub.s32 s2, s18;
	s7 =	sadd.s32 s8, s3  }
0xc: {  	s5 =	sshrl.u32 s5, $0x3;
	s9 =	sshrl.u32 s6, $0x3;
	s21 =	sor.u32 $0xB00, s6  }
0xd: {  	s22 =	sor.u32 $0xA00, s6;
	s26 =	sor.u32 $0x900, s6;
	s11 =	sor.u32 $0x800, s6  }
0xe: {  	s12 =	sor.u32 $0x700, s6;
	s16 =	sor.u32 $0x600, s6;
	s18 =	sor.u32 $0x500, s6  }
0xf: {  	s6 =	sor.u32 $0x400, s6;
	s2 =	smax.u32 s2, $0x1;
	s5 =	sadd.s32 s5, s0  }
0x10: {  	s9 =	sadd.s32 s1, s9;
	s8 =	sshrl.u32 s21, $0x3;
	s24 =	sshrl.u32 s22, $0x3  }
0x11: {  	s14 =	sshrl.u32 s12, $0x3;
	s17 =	sshrl.u32 s16, $0x3;
	[dreg:$0x19] =	wrdreg s2  }
0x12: {  	s6 =	sshrl.u32 s6, $0x3;
	s21 =	simm.s32 $0x280;
	[dreg:$0x14] =	wrdreg s9  }
0x13: {  	s12 =	sshrl.u32 @!p0 s7, $0x3;
	s22 =	simm.s32 $0x380;
	[dreg:$0xd] =	wrdreg s21  }
0x14: {  	s16 =	simm.s32 $0x300;
	s2 =	simm.s32 $0x5;
	[dreg:$0xe] =	wrdreg s22  }
0x15: {  	s7 =	simm.s32 $0x7;
	s19 =	sadd.s32 $0x20, s9;
	[dreg:$0x1b] =	wrdreg s12  }
0x16: {  	s20 =	sadd.s32 $0x40, s9;
	s9 =	sadd.s32 $0x60, s9;
	[dreg:$0x15] =	wrdreg s19  }
0x17: {  	s5 =	sadd.s32 $0x142600, s5;
	s23 =	sadd.s32 s8, s1;
	[dreg:$0x16] =	wrdreg s20  }
0x18: {  	s25 =	sadd.s32 s24, s1;
	s8 =	sshrl.u32 s11, $0x3;
	[dreg:$0x17] =	wrdreg s9  }
0x19: {  	s15 =	sadd.s32 s14, s1;
	s14 =	simm.s32 $0x100;
	[dreg:$0x18] =	wrdreg s5  }
0x1a: {  	s24 =	simm.s32 $0x580;
	s21 =	simm.s32 $0x2;
	[dreg:$0x4] =	wrdreg s23  }
0x1b: {  	s22 =	simm.s32 $0x4800;
	[dreg:$0x5] =	wrdreg s25;
	s9 =	sshrl.u32 s26, $0x3  }
0x1c: {  	s13 =	sadd.s32 s8, s1;
	[dreg:$0x8] =	wrdreg s15;
	s8 =	sshrl.u32 s18, $0x3  }
0x1d: {  	s15 =	simm.s32 $0x200;
	s20 =	simm.s32 $0x180;
	[dreg:$0x10] =	wrdreg s24  }
0x1e: {  	s18 =	simm.s32 $0x80;
	s23 =	simm.s32 $0x480;
	[dreg:$0x7] =	wrdreg s13  }
0x1f: {  	s25 =	simm.s32 $0x680;
	s26 =	simm.s32 $0x780;
	[dreg:$0xc] =	wrdreg s20  }
0x20: {  	s24 =	simm.s32 $0xB;
	s5 =	sadd.s32 s9, s1;
	[dreg:$0xf] =	wrdreg s23  }
0x21: {  	s19 =	sadd.s32 s8, s1;
	s20 =	simm.s32 $0x400;
	[dreg:$0x11] =	wrdreg s25  }
0x22: {  	s23 =	simm.s32 $0x9;
	[dreg:$0x12] =	wrdreg s26;
	s25 =	simm.s32 $0x500  }
0x23: {  	s26 =	simm.s32 $0x3;
	s8 =	simm.s32 $0x8;
	[dreg:$0x6] =	wrdreg s5  }
0x24: {  	s5 =	sadd.s32 s17, s1;
	[dreg:$0xa] =	wrdreg s19;
	s1 =	sadd.s32 s6, s1  }
0x25: {  	s9 =	simm.s32 $0x0;
	[dreg:$0xb] =	wrdreg s1;
	s1 =	sshll.u32 @!p0 s10, $0x6  }
0x26: {  	s19 =	simm.s32 $0x800;
	[dreg:$0x9] =	wrdreg s5;
	s11 =	sor.u32 @!p0 $0x1C0D, s1  }
0x27: {  	s5 =	simm.s32 $0x6;
	s1 =	simm.s32 $0x700;
	[dreg:$0x1a] =	wrdreg s11  }
.LBB2_1:
0x28: {  	s6 =	rddreg [dreg:$0x13]  }
0x29: {  	[spmem:s12], [sflag:s11] =	dma.local @!p0 [hbm:s6], $0x9C80  }
0x2a: {  	s6 =	simm.s32 @!p0 $0xD  }
0x2b: {  	_ =	swait.ge @!p0 [sflag:s6], $0x9C80  }
0x2c: {  	[sflag:s6] =	ssyncset.done @!p0 $0x0  }
0x2d: {  	[sflag:s6] =	ssyncadd.s32 @!p0 $0xFFFF6380  }
0x2e: {  	[bflag:$0x0] =	sbarrier.arrive $0xFFFF  }
0x2f: {  	s10 =	rddreg [dreg:$0x14]  }
0x30: {  	[tilespmem:s4], [sflag:$0x1] =	stream.linear.gather [hbm4b:s10+s4], $0x100, $0x38;
	[tilespmem:$0x1C100] =	vst v63  }
0x31: {  	s11 =	rddreg [dreg:$0x15]  }
0x32: {  	[tilespmem:s14], [sflag:$0x2] =	stream.linear.gather [hbm4b:s11+s4], $0x100, $0x38;
	[tilespmem:$0x1C100] =	vst v63  }
0x33: {  	s12 =	rddreg [dreg:$0x16]  }
0x34: {  	[tilespmem:s15], [sflag:$0x3] =	stream.linear.gather [hbm4b:s12+s4], $0x100, $0x38;
	[tilespmem:$0x1C100] =	vst v63  }
0x35: {  	s17 =	simm.s32 $0x1;
	s13 =	rddreg [dreg:$0x17]  }
0x36: {  	[tilespmem:s16], [sflag:$0x4] =	stream.linear.gather [hbm4b:s13+s4], $0x100, $0x38;
	[tilespmem:$0x1C100] =	vst v63  }
0x37: {  	p1 =	por $0x1, $0x1;
	_ =	swait.ge [sflag:s17], $0x100  }
0x38: {  	p1 =	por p1, p1;
	[sflag:s17] =	ssyncset.done $0x0  }
0x39: {  	s6 =	simm.s32 @!p1 $0xC;
	[sflag:s17] =	ssyncadd.s32 $0xFFFFFF00  }
0x3a: {  	[tilespmem:s19], [sflag:$0x9] =	stream.indirect.gather [hbm4b:s0+s18], $0x80, s4, s18, $0xb8;
	[tilespmem:$0x1C100] =	vst v63  }
0x3b: {  	_ =	swait.ge @!p1 [sflag:s6], $0x4000  }
0x3c: {  	s10 =	rddreg [dreg:$0xb];
	[sflag:s6] =	ssyncset.done @!p1 $0x0  }
0x3d: {  	[sflag:s6] =	ssyncadd.s32 @!p1 $0xFFFFC000;
	s10 =	sadd.s32 $0x0, s10  }
0x3e: {  	[tilespmem:s20], [sflag:$0x5] =	stream.linear.gather [hbm4b:s10+s4], $0x100, $0x38;
	[tilespmem:$0x1C100] =	vst v63  }
0x3f: {  	_ =	swait.ge [sflag:s21], $0x100  }
0x40: {  	[sflag:s21] =	ssyncset.done $0x0  }
0x41: {  	[sflag:s21] =	ssyncadd.s32 $0xFFFFFF00  }
0x42: {  	[tilespmem:s22], [sflag:$0xA] =	stream.indirect.gather [hbm4b:s0+s18], $0x80, s14, s18, $0xb8;
	[tilespmem:$0x1C100] =	vst v63  }
0x43: {  	_ =	swait.ge [sflag:s23], $0x4000  }
0x44: {  	[sflag:s23] =	ssyncset.done $0x0  }
0x45: {  	[sflag:s23] =	ssyncadd.s32 $0xFFFFC000  }
0x46: {  	[spmem:s3] =	stream.indirect.scatter.add.f32 [tilespmem:s19], [sflag:$0xB], $0x80, s18, s18, $0xb8;
	[tilespmem:$0x1C100] =	vst v63  }
0x47: {  	_ =	swait.ge [sflag:s24], $0x4000  }
0x48: {  	s11 =	rddreg [dreg:$0xa];
	[sflag:s24] =	ssyncset.done $0x0  }
0x49: {  	[sflag:s24] =	ssyncadd.s32 $0xFFFFC000;
	s6 =	sadd.s32 $0x0, s11  }
0x4a: {  	[tilespmem:s25], [sflag:$0x6] =	stream.linear.gather [hbm4b:s6+s4], $0x100, $0x38;
	[tilespmem:$0x1C100] =	vst v63  }
0x4b: {  	_ =	swait.ge [sflag:s26], $0x100  }
0x4c: {  	[sflag:s26] =	ssyncset.done $0x0  }
0x4d: {  	[sflag:s26] =	ssyncadd.s32 $0xFFFFFF00  }
0x4e: {  	[tilespmem:s19], [sflag:$0x9] =	stream.indirect.gather [hbm4b:s0+s18], $0x80, s15, s18, $0xb8;
	[tilespmem:$0x1C100] =	vst v63  }
0x4f: {  	_ =	swait.ge [sflag:s28], $0x4000  }
0x50: {  	[sflag:s28] =	ssyncset.done $0x0  }
0x51: {  	s12 =	rddreg [dreg:$0xc];
	[sflag:s28] =	ssyncadd.s32 $0xFFFFC000  }
0x52: {  	[spmem:s3] =	stream.indirect.scatter.add.f32 [tilespmem:s22], [sflag:$0xC], $0x80, s12, s18, $0xb8;
	[tilespmem:$0x1C100] =	vst v63  }
0x53: {  	_ =	swait.ge [sflag:s29], $0x4000  }
0x54: {  	s13 =	rddreg [dreg:$0x9];
	[sflag:s29] =	ssyncset.done $0x0  }
0x55: {  	[sflag:s29] =	ssyncadd.s32 $0xFFFFC000;
	s6 =	sadd.s32 $0x0, s13  }
0x56: {  	[tilespmem:s30], [sflag:$0x7] =	stream.linear.gather [hbm4b:s6+s4], $0x100, $0x38;
	[tilespmem:$0x1C100] =	vst v63  }
0x57: {  	_ =	swait.ge [sflag:s31], $0x100  }
0x58: {  	[sflag:s31] =	ssyncset.done $0x0  }
0x59: {  	[sflag:s31] =	ssyncadd.s32 $0xFFFFFF00  }
0x5a: {  	[tilespmem:s22], [sflag:$0xA] =	stream.indirect.gather [hbm4b:s0+s18], $0x80, s16, s18, $0xb8;
	[tilespmem:$0x1C100] =	vst v63  }
0x5b: {  	_ =	swait.ge [sflag:s23], $0x4000  }
0x5c: {  	[sflag:s23] =	ssyncset.done $0x0  }
0x5d: {  	s17 =	rddreg [dreg:$0xd];
	[sflag:s23] =	ssyncadd.s32 $0xFFFFC000  }
0x5e: {  	[spmem:s3] =	stream.indirect.scatter.add.f32 [tilespmem:s19], [sflag:$0xB], $0x80, s17, s18, $0xb8;
	[tilespmem:$0x1C100] =	vst v63  }
0x5f: {  	_ =	swait.ge [sflag:s24], $0x4000  }
0x60: {  	s10 =	rddreg [dreg:$0x8];
	[sflag:s24] =	ssyncset.done $0x0  }
0x61: {  	[sflag:s24] =	ssyncadd.s32 $0xFFFFC000;
	s6 =	sadd.s32 $0x0, s10  }
0x62: {  	[tilespmem:s1], [sflag:$0x8] =	stream.linear.gather [hbm4b:s6+s4], $0x100, $0x38;
	[tilespmem:$0x1C100] =	vst v63  }
0x63: {  	_ =	swait.ge [sflag:s2], $0x100  }
0x64: {  	[sflag:s2] =	ssyncset.done $0x0  }
0x65: {  	[sflag:s2] =	ssyncadd.s32 $0xFFFFFF00  }
0x66: {  	[tilespmem:s19], [sflag:$0x9] =	stream.indirect.gather [hbm4b:s0+s18], $0x80, s20, s18, $0xb8;
	[tilespmem:$0x1C100] =	vst v63  }
0x67: {  	_ =	swait.ge [sflag:s28], $0x4000  }
0x68: {  	[sflag:s28] =	ssyncset.done $0x0  }
0x69: {  	s11 =	rddreg [dreg:$0xe];
	[sflag:s28] =	ssyncadd.s32 $0xFFFFC000  }
0x6a: {  	[spmem:s3] =	stream.indirect.scatter.add.f32 [tilespmem:s22], [sflag:$0xC], $0x80, s11, s18, $0xb8;
	[tilespmem:$0x1C100] =	vst v63  }
0x6b: {  	_ =	swait.ge [sflag:s29], $0x4000  }
0x6c: {  	p1 =	por $0x0, $0x0;
	s6 =	rddreg [dreg:$0x7];
	[sflag:s29] =	ssyncset.done $0x0  }
0x6d: {  	s10 =	simm.s32 @!p1 $0x0;
	[sflag:s29] =	ssyncadd.s32 $0xFFFFC000;
	s6 =	sadd.s32 @!p1 $0x0, s6  }
0x6e: {  	[tilespmem:s10], [sflag:$0x1] =	stream.linear.gather @!p1 [hbm4b:s6+s10], $0x100, $0x38;
	[tilespmem:$0x1C100] =	vst v63  }
0x6f: {  	_ =	swait.ge [sflag:s5], $0x100  }
0x70: {  	[sflag:s5] =	ssyncset.done $0x0  }
0x71: {  	[sflag:s5] =	ssyncadd.s32 $0xFFFFFF00  }
0x72: {  	[tilespmem:s22], [sflag:$0xA] =	stream.indirect.gather [hbm4b:s0+s18], $0x80, s25, s18, $0xb8;
	[tilespmem:$0x1C100] =	vst v63  }
0x73: {  	_ =	swait.ge [sflag:s23], $0x4000  }
0x74: {  	[sflag:s23] =	ssyncset.done $0x0  }
0x75: {  	s12 =	rddreg [dreg:$0xf];
	[sflag:s23] =	ssyncadd.s32 $0xFFFFC000  }
0x76: {  	[spmem:s3] =	stream.indirect.scatter.add.f32 [tilespmem:s19], [sflag:$0xB], $0x80, s12, s18, $0xb8;
	[tilespmem:$0x1C100] =	vst v63  }
0x77: {  	_ =	swait.ge [sflag:s24], $0x4000  }
0x78: {  	s6 =	rddreg [dreg:$0x6];
	[sflag:s24] =	ssyncset.done $0x0  }
0x79: {  	s11 =	simm.s32 @!p1 $0x100;
	[sflag:s24] =	ssyncadd.s32 $0xFFFFC000;
	s6 =	sadd.s32 @!p1 $0x0, s6  }
0x7a: {  	[tilespmem:s11], [sflag:$0x2] =	stream.linear.gather @!p1 [hbm4b:s6+s10], $0x100, $0x38;
	[tilespmem:$0x1C100] =	vst v63  }
0x7b: {  	_ =	swait.ge [sflag:s7], $0x100  }
0x7c: {  	[sflag:s7] =	ssyncset.done $0x0  }
0x7d: {  	[sflag:s7] =	ssyncadd.s32 $0xFFFFFF00  }
0x7e: {  	[tilespmem:s19], [sflag:$0x9] =	stream.indirect.gather [hbm4b:s0+s18], $0x80, s30, s18, $0xb8;
	[tilespmem:$0x1C100] =	vst v63  }
0x7f: {  	_ =	swait.ge [sflag:s28], $0x4000  }
0x80: {  	[sflag:s28] =	ssyncset.done $0x0  }
0x81: {  	s13 =	rddreg [dreg:$0x10];
	[sflag:s28] =	ssyncadd.s32 $0xFFFFC000  }
0x82: {  	[spmem:s3] =	stream.indirect.scatter.add.f32 [tilespmem:s22], [sflag:$0xC], $0x80, s13, s18, $0xb8;
	[tilespmem:$0x1C100] =	vst v63  }
0x83: {  	_ =	swait.ge [sflag:s29], $0x4000  }
0x84: {  	s6 =	rddreg [dreg:$0x5];
	[sflag:s29] =	ssyncset.done $0x0  }
0x85: {  	s11 =	simm.s32 @!p1 $0x200;
	[sflag:s29] =	ssyncadd.s32 $0xFFFFC000;
	s6 =	sadd.s32 @!p1 $0x0, s6  }
0x86: {  	[tilespmem:s11], [sflag:$0x3] =	stream.linear.gather @!p1 [hbm4b:s6+s10], $0x100, $0x38;
	[tilespmem:$0x1C100] =	vst v63  }
0x87: {  	_ =	swait.ge [sflag:s8], $0x100  }
0x88: {  	[sflag:s8] =	ssyncset.done $0x0  }
0x89: {  	[sflag:s8] =	ssyncadd.s32 $0xFFFFFF00  }
0x8a: {  	[tilespmem:s22], [sflag:$0xA] =	stream.indirect.gather [hbm4b:s0+s18], $0x80, s1, s18, $0xb8;
	[tilespmem:$0x1C100] =	vst v63  }
0x8b: {  	_ =	swait.ge [sflag:s23], $0x4000  }
0x8c: {  	[sflag:s23] =	ssyncset.done $0x0  }
0x8d: {  	s17 =	rddreg [dreg:$0x11];
	[sflag:s23] =	ssyncadd.s32 $0xFFFFC000  }
0x8e: {  	[spmem:s3] =	stream.indirect.scatter.add.f32 [tilespmem:s19], [sflag:$0xB], $0x80, s17, s18, $0xb8;
	[tilespmem:$0x1C100] =	vst v63  }
0x8f: {  	_ =	swait.ge [sflag:s24], $0x4000  }
0x90: {  	s6 =	rddreg [dreg:$0x4];
	[sflag:s24] =	ssyncset.done $0x0  }
0x91: {  	s11 =	simm.s32 @!p1 $0x300;
	[sflag:s24] =	ssyncadd.s32 $0xFFFFC000;
	s6 =	sadd.s32 @!p1 $0x0, s6  }
0x92: {  	[tilespmem:s11], [sflag:$0x4] =	stream.linear.gather @!p1 [hbm4b:s6+s10], $0x100, $0x38;
	[tilespmem:$0x1C100] =	vst v63  }
0x93: {  	s6 =	simm.s32 @!p1 $0x1  }
0x94: {  	_ =	swait.ge @!p1 [sflag:s6], $0x100  }
0x95: {  	[sflag:s6] =	ssyncset.done @!p1 $0x0  }
0x96: {  	s11 =	simm.s32 @!p1 $0x800;
	[sflag:s6] =	ssyncadd.s32 @!p1 $0xFFFFFF00;
	s6 =	simm.s32 @!p1 $0x80  }
0x97: {  	[tilespmem:s11], [sflag:$0x9] =	stream.indirect.gather @!p1 [hbm4b:s0+s6], $0x80, s10, s6, $0xb8;
	[tilespmem:$0x1C100] =	vst v63  }
0x98: {  	p6 =	por $0x0, $0x0;
	_ =	swait.ge [sflag:s28], $0x4000  }
0x99: {  	s10 =	simm.s32 $0x100;
	s11 =	simm.s32 $0x200;
	[sflag:s28] =	ssyncset.done $0x0  }
0x9a: {  	p1 =	por p6, p6;
	s6 =	rddreg [dreg:$0x12];
	[sflag:s28] =	ssyncadd.s32 $0xFFFFC000  }
.LBB2_2:
0x9b: {  	[spmem:s3] =	stream.indirect.scatter.add.f32 [tilespmem:s22], [sflag:$0xC], $0x80, s6, s18, $0xb8;
	[tilespmem:$0x1C100] =	vst v63  }
0x9c: {  	s17 =	simm.s32 @!p1 $0xC  }
0x9d: {  	_ =	swait.ge @!p1 [sflag:s17], $0x4000  }
0x9e: {  	[sflag:s17] =	ssyncset.done @!p1 $0x0;
	s12 =	rddreg [dreg:$0xb]  }
0x9f: {  	[sflag:s17] =	ssyncadd.s32 @!p1 $0xFFFFC000;
	s12 =	sadd.s32 s10, s12  }
0xa0: {  	[tilespmem:s20], [sflag:$0x5] =	stream.linear.gather [hbm4b:s12+s4], $0x100, $0x38;
	[tilespmem:$0x1C100] =	vst v63  }
0xa1: {  	_ =	swait.ge [sflag:s21], $0x100  }
0xa2: {  	[sflag:s21] =	ssyncset.done $0x0  }
0xa3: {  	[sflag:s21] =	ssyncadd.s32 $0xFFFFFF00  }
0xa4: {  	[tilespmem:s22], [sflag:$0xA] =	stream.indirect.gather [hbm4b:s0+s18], $0x80, s14, s18, $0xb8;
	[tilespmem:$0x1C100] =	vst v63  }
0xa5: {  	_ =	swait.ge [sflag:s23], $0x4000  }
0xa6: {  	[sflag:s23] =	ssyncset.done $0x0  }
0xa7: {  	[sflag:s23] =	ssyncadd.s32 $0xFFFFC000  }
0xa8: {  	[spmem:s3] =	stream.indirect.scatter.add.f32 [tilespmem:s19], [sflag:$0xB], $0x80, s18, s18, $0xb8;
	[tilespmem:$0x1C100] =	vst v63  }
0xa9: {  	_ =	swait.ge [sflag:s24], $0x4000  }
0xaa: {  	s13 =	rddreg [dreg:$0xa];
	[sflag:s24] =	ssyncset.done $0x0  }
0xab: {  	[sflag:s24] =	ssyncadd.s32 $0xFFFFC000;
	s12 =	sadd.s32 s10, s13  }
0xac: {  	[tilespmem:s25], [sflag:$0x6] =	stream.linear.gather [hbm4b:s12+s4], $0x100, $0x38;
	[tilespmem:$0x1C100] =	vst v63  }
0xad: {  	_ =	swait.ge [sflag:s26], $0x100  }
0xae: {  	[sflag:s26] =	ssyncset.done $0x0  }
0xaf: {  	[sflag:s26] =	ssyncadd.s32 $0xFFFFFF00  }
0xb0: {  	[tilespmem:s19], [sflag:$0x9] =	stream.indirect.gather [hbm4b:s0+s18], $0x80, s15, s18, $0xb8;
	[tilespmem:$0x1C100] =	vst v63  }
0xb1: {  	_ =	swait.ge [sflag:s28], $0x4000  }
0xb2: {  	[sflag:s28] =	ssyncset.done $0x0  }
0xb3: {  	s17 =	rddreg [dreg:$0xc];
	[sflag:s28] =	ssyncadd.s32 $0xFFFFC000  }
0xb4: {  	[spmem:s3] =	stream.indirect.scatter.add.f32 [tilespmem:s22], [sflag:$0xC], $0x80, s17, s18, $0xb8;
	[tilespmem:$0x1C100] =	vst v63  }
0xb5: {  	_ =	swait.ge [sflag:s29], $0x4000  }
0xb6: {  	s13 =	rddreg [dreg:$0x9];
	[sflag:s29] =	ssyncset.done $0x0  }
0xb7: {  	[sflag:s29] =	ssyncadd.s32 $0xFFFFC000;
	s12 =	sadd.s32 s10, s13  }
0xb8: {  	[tilespmem:s30], [sflag:$0x7] =	stream.linear.gather [hbm4b:s12+s4], $0x100, $0x38;
	[tilespmem:$0x1C100] =	vst v63  }
0xb9: {  	_ =	swait.ge [sflag:s31], $0x100  }
0xba: {  	[sflag:s31] =	ssyncset.done $0x0  }
0xbb: {  	[sflag:s31] =	ssyncadd.s32 $0xFFFFFF00  }
0xbc: {  	[tilespmem:s22], [sflag:$0xA] =	stream.indirect.gather [hbm4b:s0+s18], $0x80, s16, s18, $0xb8;
	[tilespmem:$0x1C100] =	vst v63  }
0xbd: {  	_ =	swait.ge [sflag:s23], $0x4000  }
0xbe: {  	[sflag:s23] =	ssyncset.done $0x0  }
0xbf: {  	s17 =	rddreg [dreg:$0xd];
	[sflag:s23] =	ssyncadd.s32 $0xFFFFC000  }
0xc0: {  	[spmem:s3] =	stream.indirect.scatter.add.f32 [tilespmem:s19], [sflag:$0xB], $0x80, s17, s18, $0xb8;
	[tilespmem:$0x1C100] =	vst v63  }
0xc1: {  	_ =	swait.ge [sflag:s24], $0x4000  }
0xc2: {  	s13 =	rddreg [dreg:$0x8];
	[sflag:s24] =	ssyncset.done $0x0  }
0xc3: {  	[sflag:s24] =	ssyncadd.s32 $0xFFFFC000;
	s12 =	sadd.s32 s10, s13  }
0xc4: {  	[tilespmem:s1], [sflag:$0x8] =	stream.linear.gather [hbm4b:s12+s4], $0x100, $0x38;
	[tilespmem:$0x1C100] =	vst v63  }
0xc5: {  	_ =	swait.ge [sflag:s2], $0x100  }
0xc6: {  	[sflag:s2] =	ssyncset.done $0x0  }
0xc7: {  	[sflag:s2] =	ssyncadd.s32 $0xFFFFFF00  }
0xc8: {  	[tilespmem:s19], [sflag:$0x9] =	stream.indirect.gather [hbm4b:s0+s18], $0x80, s20, s18, $0xb8;
	[tilespmem:$0x1C100] =	vst v63  }
0xc9: {  	_ =	swait.ge [sflag:s28], $0x4000  }
0xca: {  	s6 =	smov.u32 s11;
	[sflag:s28] =	ssyncset.done $0x0  }
0xcb: {  	p3 =	seq.s32 s6, $0x0;
	s17 =	rddreg [dreg:$0xe];
	[sflag:s28] =	ssyncadd.s32 $0xFFFFC000  }
0xcc: {  	[spmem:s3] =	stream.indirect.scatter.add.f32 [tilespmem:s22], [sflag:$0xC], $0x80, s17, s18, $0xb8;
	[tilespmem:$0x1C100] =	vst v63  }
0xcd: {  	p1 =	por p3, p3;
	_ =	swait.ge [sflag:s29], $0x4000  }
0xce: {  	p3 =	seq.s32 s10, $0x900;
	s12 =	rddreg [dreg:$0x7];
	[sflag:s29] =	ssyncset.done $0x0  }
0xcf: {  	s17 =	simm.s32 @!p3 $0x0;
	[sflag:s29] =	ssyncadd.s32 $0xFFFFC000;
	s12 =	sadd.s32 @!p3 s10, s12  }
0xd0: {  	[tilespmem:s17], [sflag:$0x1] =	stream.linear.gather @!p3 [hbm4b:s12+s17], $0x100, $0x38;
	[tilespmem:$0x1C100] =	vst v63  }
0xd1: {  	_ =	swait.ge [sflag:s5], $0x100  }
0xd2: {  	[sflag:s5] =	ssyncset.done $0x0  }
0xd3: {  	[sflag:s5] =	ssyncadd.s32 $0xFFFFFF00  }
0xd4: {  	[tilespmem:s22], [sflag:$0xA] =	stream.indirect.gather [hbm4b:s0+s18], $0x80, s25, s18, $0xb8;
	[tilespmem:$0x1C100] =	vst v63  }
0xd5: {  	_ =	swait.ge [sflag:s23], $0x4000  }
0xd6: {  	[sflag:s23] =	ssyncset.done $0x0  }
0xd7: {  	s13 =	rddreg [dreg:$0xf];
	[sflag:s23] =	ssyncadd.s32 $0xFFFFC000  }
0xd8: {  	[spmem:s3] =	stream.indirect.scatter.add.f32 [tilespmem:s19], [sflag:$0xB], $0x80, s13, s18, $0xb8;
	[tilespmem:$0x1C100] =	vst v63  }
0xd9: {  	_ =	swait.ge [sflag:s24], $0x4000  }
0xda: {  	s12 =	rddreg [dreg:$0x6];
	[sflag:s24] =	ssyncset.done $0x0  }
0xdb: {  	s13 =	simm.s32 @!p3 $0x100;
	[sflag:s24] =	ssyncadd.s32 $0xFFFFC000;
	s12 =	sadd.s32 @!p3 s10, s12  }
0xdc: {  	[tilespmem:s13], [sflag:$0x2] =	stream.linear.gather @!p3 [hbm4b:s12+s17], $0x100, $0x38;
	[tilespmem:$0x1C100] =	vst v63  }
0xdd: {  	_ =	swait.ge [sflag:s7], $0x100  }
0xde: {  	[sflag:s7] =	ssyncset.done $0x0  }
0xdf: {  	[sflag:s7] =	ssyncadd.s32 $0xFFFFFF00  }
0xe0: {  	[tilespmem:s19], [sflag:$0x9] =	stream.indirect.gather [hbm4b:s0+s18], $0x80, s30, s18, $0xb8;
	[tilespmem:$0x1C100] =	vst v63  }
0xe1: {  	_ =	swait.ge [sflag:s28], $0x4000  }
0xe2: {  	[sflag:s28] =	ssyncset.done $0x0  }
0xe3: {  	s13 =	rddreg [dreg:$0x10];
	[sflag:s28] =	ssyncadd.s32 $0xFFFFC000  }
0xe4: {  	[spmem:s3] =	stream.indirect.scatter.add.f32 [tilespmem:s22], [sflag:$0xC], $0x80, s13, s18, $0xb8;
	[tilespmem:$0x1C100] =	vst v63  }
0xe5: {  	_ =	swait.ge [sflag:s29], $0x4000  }
0xe6: {  	s12 =	rddreg [dreg:$0x5];
	[sflag:s29] =	ssyncset.done $0x0  }
0xe7: {  	s13 =	simm.s32 @!p3 $0x200;
	[sflag:s29] =	ssyncadd.s32 $0xFFFFC000;
	s12 =	sadd.s32 @!p3 s10, s12  }
0xe8: {  	[tilespmem:s13], [sflag:$0x3] =	stream.linear.gather @!p3 [hbm4b:s12+s17], $0x100, $0x38;
	[tilespmem:$0x1C100] =	vst v63  }
0xe9: {  	_ =	swait.ge [sflag:s8], $0x100  }
0xea: {  	[sflag:s8] =	ssyncset.done $0x0  }
0xeb: {  	[sflag:s8] =	ssyncadd.s32 $0xFFFFFF00  }
0xec: {  	[tilespmem:s22], [sflag:$0xA] =	stream.indirect.gather [hbm4b:s0+s18], $0x80, s1, s18, $0xb8;
	[tilespmem:$0x1C100] =	vst v63  }
0xed: {  	_ =	swait.ge [sflag:s23], $0x4000  }
0xee: {  	[sflag:s23] =	ssyncset.done $0x0  }
0xef: {  	s13 =	rddreg [dreg:$0x11];
	[sflag:s23] =	ssyncadd.s32 $0xFFFFC000  }
0xf0: {  	[spmem:s3] =	stream.indirect.scatter.add.f32 [tilespmem:s19], [sflag:$0xB], $0x80, s13, s18, $0xb8;
	[tilespmem:$0x1C100] =	vst v63  }
0xf1: {  	s11 =	sadd.s32 $0x100, s11;
	_ =	swait.ge [sflag:s24], $0x4000  }
0xf2: {  	s13 =	simm.s32 @!p3 $0x1;
	s12 =	rddreg [dreg:$0x4];
	[sflag:s24] =	ssyncset.done $0x0  }
0xf3: {  	[sflag:s24] =	ssyncadd.s32 $0xFFFFC000;
	s10 =	sadd.s32 @!p3 s10, s12;
	s12 =	simm.s32 @!p3 $0x300  }
0xf4: {  	[tilespmem:s12], [sflag:$0x4] =	stream.linear.gather @!p3 [hbm4b:s10+s17], $0x100, $0x38;
	[tilespmem:$0x1C100] =	vst v63  }
0xf5: {  	p2 =	sne.s32 s11, $0xA00;
	_ =	swait.ge @!p3 [sflag:s13], $0x100  }
0xf6: {  	s10 =	smov.u32 s6;
	s6 =	simm.s32 @!p3 $0x80;
	[sflag:s13] =	ssyncset.done @!p3 $0x0  }
.Ltmp0:
0xf7: {  	s12 =	simm.s32 @!p3 $0x800;
	[sflag:s13] =	ssyncadd.s32 @!p3 $0xFFFFFF00;
	(pc) =	sbr.rel @p2 .LBB2_2-.Ltmp0, $4  }
0xf8: {  	[tilespmem:s12], [sflag:$0x9] =	stream.indirect.gather @!p3 [hbm4b:s0+s6], $0x80, s17, s6, $0xb8;
	[tilespmem:$0x1C100] =	vst v63  }
0xf9: {  	_ =	swait.ge [sflag:s28], $0x4000  }
0xfa: {  	[sflag:s28] =	ssyncset.done $0x0  }
0xfb: {  	s6 =	rddreg [dreg:$0x12];
	[sflag:s28] =	ssyncadd.s32 $0xFFFFC000  }
0xfc: {  	[spmem:s3] =	stream.indirect.scatter.add.f32 [tilespmem:s22], [sflag:$0xC], $0x80, s6, s18, $0xb8;
	[tilespmem:$0x1C100] =	vst v63  }
0xfd: {  	s6 =	simm.s32 @!p1 $0xC  }
0xfe: {  	_ =	swait.ge @!p1 [sflag:s6], $0x4000  }
0xff: {  	s11 =	rddreg [dreg:$0xb];
	[sflag:s6] =	ssyncset.done @!p1 $0x0  }
0x100: {  	[sflag:s6] =	ssyncadd.s32 @!p1 $0xFFFFC000;
	s17 =	sadd.s32 s10, s11  }
0x101: {  	[tilespmem:s20], [sflag:$0x5] =	stream.linear.gather [hbm4b:s17+s4], $0x100, $0x38;
	[tilespmem:$0x1C100] =	vst v63  }
0x102: {  	_ =	swait.ge [sflag:s21], $0x100  }
0x103: {  	[sflag:s21] =	ssyncset.done $0x0  }
0x104: {  	[sflag:s21] =	ssyncadd.s32 $0xFFFFFF00  }
0x105: {  	[tilespmem:s22], [sflag:$0xA] =	stream.indirect.gather [hbm4b:s0+s18], $0x80, s14, s18, $0xb8;
	[tilespmem:$0x1C100] =	vst v63  }
0x106: {  	_ =	swait.ge [sflag:s23], $0x4000  }
0x107: {  	[sflag:s23] =	ssyncset.done $0x0  }
0x108: {  	[sflag:s23] =	ssyncadd.s32 $0xFFFFC000  }
0x109: {  	[spmem:s3] =	stream.indirect.scatter.add.f32 [tilespmem:s19], [sflag:$0xB], $0x80, s18, s18, $0xb8;
	[tilespmem:$0x1C100] =	vst v63  }
0x10a: {  	_ =	swait.ge [sflag:s24], $0x4000  }
0x10b: {  	s11 =	rddreg [dreg:$0xa];
	[sflag:s24] =	ssyncset.done $0x0  }
0x10c: {  	[sflag:s24] =	ssyncadd.s32 $0xFFFFC000;
	s6 =	sadd.s32 s10, s11  }
0x10d: {  	[tilespmem:s25], [sflag:$0x6] =	stream.linear.gather [hbm4b:s6+s4], $0x100, $0x38;
	[tilespmem:$0x1C100] =	vst v63  }
0x10e: {  	_ =	swait.ge [sflag:s26], $0x100  }
0x10f: {  	[sflag:s26] =	ssyncset.done $0x0  }
0x110: {  	[sflag:s26] =	ssyncadd.s32 $0xFFFFFF00  }
0x111: {  	[tilespmem:s19], [sflag:$0x9] =	stream.indirect.gather [hbm4b:s0+s18], $0x80, s15, s18, $0xb8;
	[tilespmem:$0x1C100] =	vst v63  }
0x112: {  	_ =	swait.ge [sflag:s28], $0x4000  }
0x113: {  	[sflag:s28] =	ssyncset.done $0x0  }
0x114: {  	s12 =	rddreg [dreg:$0xc];
	[sflag:s28] =	ssyncadd.s32 $0xFFFFC000  }
0x115: {  	[spmem:s3] =	stream.indirect.scatter.add.f32 [tilespmem:s22], [sflag:$0xC], $0x80, s12, s18, $0xb8;
	[tilespmem:$0x1C100] =	vst v63  }
0x116: {  	_ =	swait.ge [sflag:s29], $0x4000  }
0x117: {  	s13 =	rddreg [dreg:$0x9];
	[sflag:s29] =	ssyncset.done $0x0  }
0x118: {  	[sflag:s29] =	ssyncadd.s32 $0xFFFFC000;
	s6 =	sadd.s32 s10, s13  }
0x119: {  	[tilespmem:s30], [sflag:$0x7] =	stream.linear.gather [hbm4b:s6+s4], $0x100, $0x38;
	[tilespmem:$0x1C100] =	vst v63  }
0x11a: {  	_ =	swait.ge [sflag:s31], $0x100  }
0x11b: {  	[sflag:s31] =	ssyncset.done $0x0  }
0x11c: {  	[sflag:s31] =	ssyncadd.s32 $0xFFFFFF00  }
0x11d: {  	[tilespmem:s22], [sflag:$0xA] =	stream.indirect.gather [hbm4b:s0+s18], $0x80, s16, s18, $0xb8;
	[tilespmem:$0x1C100] =	vst v63  }
0x11e: {  	_ =	swait.ge [sflag:s23], $0x4000  }
0x11f: {  	[sflag:s23] =	ssyncset.done $0x0  }
0x120: {  	s17 =	rddreg [dreg:$0xd];
	[sflag:s23] =	ssyncadd.s32 $0xFFFFC000  }
0x121: {  	[spmem:s3] =	stream.indirect.scatter.add.f32 [tilespmem:s19], [sflag:$0xB], $0x80, s17, s18, $0xb8;
	[tilespmem:$0x1C100] =	vst v63  }
0x122: {  	_ =	swait.ge [sflag:s24], $0x4000  }
0x123: {  	s11 =	rddreg [dreg:$0x8];
	[sflag:s24] =	ssyncset.done $0x0  }
0x124: {  	[sflag:s24] =	ssyncadd.s32 $0xFFFFC000;
	s6 =	sadd.s32 s10, s11  }
0x125: {  	[tilespmem:s1], [sflag:$0x8] =	stream.linear.gather [hbm4b:s6+s4], $0x100, $0x38;
	[tilespmem:$0x1C100] =	vst v63  }
0x126: {  	_ =	swait.ge [sflag:s2], $0x100  }
0x127: {  	[sflag:s2] =	ssyncset.done $0x0  }
0x128: {  	[sflag:s2] =	ssyncadd.s32 $0xFFFFFF00  }
0x129: {  	[tilespmem:s19], [sflag:$0x9] =	stream.indirect.gather [hbm4b:s0+s18], $0x80, s20, s18, $0xb8;
	[tilespmem:$0x1C100] =	vst v63  }
0x12a: {  	_ =	swait.ge [sflag:s28], $0x4000  }
0x12b: {  	[sflag:s28] =	ssyncset.done $0x0  }
0x12c: {  	s12 =	rddreg [dreg:$0xe];
	[sflag:s28] =	ssyncadd.s32 $0xFFFFC000  }
0x12d: {  	[spmem:s3] =	stream.indirect.scatter.add.f32 [tilespmem:s22], [sflag:$0xC], $0x80, s12, s18, $0xb8;
	[tilespmem:$0x1C100] =	vst v63  }
0x12e: {  	_ =	swait.ge [sflag:s29], $0x4000  }
0x12f: {  	p1 =	seq.s32 s10, $0x900;
	s6 =	rddreg [dreg:$0x7];
	[sflag:s29] =	ssyncset.done $0x0  }
0x130: {  	s11 =	simm.s32 @!p1 $0x0;
	[sflag:s29] =	ssyncadd.s32 $0xFFFFC000;
	s6 =	sadd.s32 @!p1 s10, s6  }
0x131: {  	[tilespmem:s11], [sflag:$0x1] =	stream.linear.gather @!p1 [hbm4b:s6+s11], $0x100, $0x38;
	[tilespmem:$0x1C100] =	vst v63  }
0x132: {  	_ =	swait.ge [sflag:s5], $0x100  }
0x133: {  	[sflag:s5] =	ssyncset.done $0x0  }
0x134: {  	[sflag:s5] =	ssyncadd.s32 $0xFFFFFF00  }
0x135: {  	[tilespmem:s22], [sflag:$0xA] =	stream.indirect.gather [hbm4b:s0+s18], $0x80, s25, s18, $0xb8;
	[tilespmem:$0x1C100] =	vst v63  }
0x136: {  	_ =	swait.ge [sflag:s23], $0x4000  }
0x137: {  	[sflag:s23] =	ssyncset.done $0x0  }
0x138: {  	s13 =	rddreg [dreg:$0xf];
	[sflag:s23] =	ssyncadd.s32 $0xFFFFC000  }
0x139: {  	[spmem:s3] =	stream.indirect.scatter.add.f32 [tilespmem:s19], [sflag:$0xB], $0x80, s13, s18, $0xb8;
	[tilespmem:$0x1C100] =	vst v63  }
0x13a: {  	_ =	swait.ge [sflag:s24], $0x4000  }
0x13b: {  	s6 =	rddreg [dreg:$0x6];
	[sflag:s24] =	ssyncset.done $0x0  }
0x13c: {  	s12 =	simm.s32 @!p1 $0x100;
	[sflag:s24] =	ssyncadd.s32 $0xFFFFC000;
	s6 =	sadd.s32 @!p1 s10, s6  }
0x13d: {  	[tilespmem:s12], [sflag:$0x2] =	stream.linear.gather @!p1 [hbm4b:s6+s11], $0x100, $0x38;
	[tilespmem:$0x1C100] =	vst v63  }
0x13e: {  	_ =	swait.ge [sflag:s7], $0x100  }
0x13f: {  	[sflag:s7] =	ssyncset.done $0x0  }
0x140: {  	[sflag:s7] =	ssyncadd.s32 $0xFFFFFF00  }
0x141: {  	[tilespmem:s19], [sflag:$0x9] =	stream.indirect.gather [hbm4b:s0+s18], $0x80, s30, s18, $0xb8;
	[tilespmem:$0x1C100] =	vst v63  }
0x142: {  	_ =	swait.ge [sflag:s28], $0x4000  }
0x143: {  	[sflag:s28] =	ssyncset.done $0x0  }
0x144: {  	s17 =	rddreg [dreg:$0x10];
	[sflag:s28] =	ssyncadd.s32 $0xFFFFC000  }
0x145: {  	[spmem:s3] =	stream.indirect.scatter.add.f32 [tilespmem:s22], [sflag:$0xC], $0x80, s17, s18, $0xb8;
	[tilespmem:$0x1C100] =	vst v63  }
0x146: {  	_ =	swait.ge [sflag:s29], $0x4000  }
0x147: {  	s6 =	rddreg [dreg:$0x5];
	[sflag:s29] =	ssyncset.done $0x0  }
0x148: {  	s12 =	simm.s32 @!p1 $0x200;
	[sflag:s29] =	ssyncadd.s32 $0xFFFFC000;
	s6 =	sadd.s32 @!p1 s10, s6  }
0x149: {  	[tilespmem:s12], [sflag:$0x3] =	stream.linear.gather @!p1 [hbm4b:s6+s11], $0x100, $0x38;
	[tilespmem:$0x1C100] =	vst v63  }
0x14a: {  	_ =	swait.ge [sflag:s8], $0x100  }
0x14b: {  	[sflag:s8] =	ssyncset.done $0x0  }
0x14c: {  	[sflag:s8] =	ssyncadd.s32 $0xFFFFFF00  }
0x14d: {  	[tilespmem:s22], [sflag:$0xA] =	stream.indirect.gather [hbm4b:s0+s18], $0x80, s1, s18, $0xb8;
	[tilespmem:$0x1C100] =	vst v63  }
0x14e: {  	_ =	swait.ge [sflag:s23], $0x4000  }
0x14f: {  	[sflag:s23] =	ssyncset.done $0x0  }
0x150: {  	s12 =	rddreg [dreg:$0x11];
	[sflag:s23] =	ssyncadd.s32 $0xFFFFC000  }
0x151: {  	[spmem:s3] =	stream.indirect.scatter.add.f32 [tilespmem:s19], [sflag:$0xB], $0x80, s12, s18, $0xb8;
	[tilespmem:$0x1C100] =	vst v63  }
0x152: {  	_ =	swait.ge [sflag:s24], $0x4000  }
0x153: {  	s6 =	rddreg [dreg:$0x4];
	[sflag:s24] =	ssyncset.done $0x0  }
0x154: {  	[sflag:s24] =	ssyncadd.s32 $0xFFFFC000;
	s6 =	sadd.s32 @!p1 s10, s6;
	s10 =	simm.s32 @!p1 $0x300  }
0x155: {  	[tilespmem:s10], [sflag:$0x4] =	stream.linear.gather @!p1 [hbm4b:s6+s11], $0x100, $0x38;
	[tilespmem:$0x1C100] =	vst v63  }
0x156: {  	s6 =	simm.s32 @!p1 $0x1  }
0x157: {  	_ =	swait.ge @!p1 [sflag:s6], $0x100  }
0x158: {  	[sflag:s6] =	ssyncset.done @!p1 $0x0  }
0x159: {  	s10 =	simm.s32 @!p1 $0x800;
	[sflag:s6] =	ssyncadd.s32 @!p1 $0xFFFFFF00;
	s6 =	simm.s32 @!p1 $0x80  }
0x15a: {  	[tilespmem:s10], [sflag:$0x9] =	stream.indirect.gather @!p1 [hbm4b:s0+s6], $0x80, s11, s6, $0xb8;
	[tilespmem:$0x1C100] =	vst v63  }
0x15b: {  	_ =	swait.ge [sflag:s28], $0x4000  }
0x15c: {  	[sflag:s28] =	ssyncset.done $0x0  }
0x15d: {  	s13 =	rddreg [dreg:$0x12];
	[sflag:s28] =	ssyncadd.s32 $0xFFFFC000  }
0x15e: {  	[spmem:s3] =	stream.indirect.scatter.add.f32 [tilespmem:s22], [sflag:$0xC], $0x80, s13, s18, $0xb8;
	[tilespmem:$0x1C100] =	vst v63  }
0x15f: {  	_ =	swait.ge [sflag:s29], $0x4000  }
0x160: {  	[sflag:s29] =	ssyncset.done $0x0  }
0x161: {  	[sflag:s29] =	ssyncadd.s32 $0xFFFFC000  }
0x162: {  	[bflag:$0x0] =	sbarrier.arrive $0xFFFF  }
0x163: {  	s6 =	rddreg [dreg:$0x18]  }
0x164: {  	s11 =	rddreg [dreg:$0x1a]  }
0x165: {  	s12 =	rddreg [dreg:$0x1b]  }
0x166: {  	[hbm:s6], [sflag:s11] =	dma.local @!p0 [spmem:s12], $0x9C80  }
0x167: {  	s6 =	simm.s32 @!p0 $0xD  }
0x168: {  	_ =	swait.ge @!p0 [sflag:s6], $0x9C80  }
0x169: {  	s9 =	sadd.s32 $0x1, s9;
	s17 =	rddreg [dreg:$0x19]  }
0x16a: {  	p1 =	sne.s32 s9, s17  }
.Ltmp1:
0x16b: {  	_ = 	snop;
	(pc) =	sbr.rel @p1 .LBB2_1-.Ltmp1, $3  }
0x16c: {  	_ =	sdelay $0x1  }
0x16d: {  	[sflag:s6] =	ssyncset.done @!p0 $0x0  }
0x16e: {  	[sflag:s6] =	ssyncadd.s32 @!p0 $0xFFFF6380  }
0x16f: {  	_ =	sfence.sel $0x180000  }
0x170: {  	[bflag:$0x0] =	sbarrier.arrive $0xFFFF  }
0x171: {  	_ =	strace $0x90000047  }
0x172: {  	s0 =	stileid.u32;
	[bflag:$0x2] =	sbarrier.arrive $0xFFFF  }
0x173: {  	p0 =	sne.s32 s0, $0x0;
	s0 =	rddreg [dreg:$0x3]  }
0x174: {  	s0 =	sadd.s32 @!p0 $0x100000, s0  }
0x175: {  	[sflag:s0] =	ssyncadd.tile.s32 @!p0 $0x1;
	_ =	shalt  }
.Lfunc_end2:
_tile_overlayer_lowered:
.L_overlay_start_2:
0x176: {  	(tag) =	ssettag $0x2  }
0x177: {  	s0 =	rddreg [dreg:$0x0];
	s2 =	stileid.u32  }
0x178: {  	s1 =	rddreg [dreg:$0x1];
	p0 =	sne.s32 s2, $0x0  }
0x179: {  	s3 =	rddreg [dreg:$0x2];
	[bflag:$0x3] =	sbarrier.arrive $0xFFFF;
	s2 =	simm.s32 @!p0 $0x1C0D  }
0x17a: {  	[timem:s3], [sflag:s2] =	dma.local @!p0 [hbm:s0], s1  }
0x17b: {  	s0 =	simm.s32 @!p0 $0xD  }
0x17c: {  	_ =	swait.ge @!p0 [sflag:s0], s1  }
0x17d: {  	s1 =	ssub.s32 @!p0 $0x0, s1;
	[sflag:s0] =	ssyncset.done @!p0 $0x0  }
0x17e: {  	[sflag:s0] =	ssyncadd.s32 @!p0 s1  }
0x17f: {  	[bflag:$0x3] =	sbarrier.arrive $0xFFFF  }
0x180: {  	_ =	shalt  }

</sc_bundles>
